<compile_context>
chip_gen: v7x
topology: tpu7x:2x2x1
jax: 0.10.2.dev20260603
libtpu: 0.0.44.dev20260713+nightly
codegen_flags: <defaults>
</compile_context>

<pallas_src>
import functools

import jax
import jax.numpy as jnp
from jax import lax
from jax.experimental import pallas as pl
from jax.experimental.pallas import tpu as pltpu
from jax.experimental.pallas import tpu_sc as plsc

D = 64
KH = 3
NF = 32
HOUT = D - KH + 1
NOUT = HOUT * NF
CH = 128


def _build_band_weights(conv_kernel):
    k = conv_kernel[:, :, 0, :]
    w = jnp.zeros((KH, D, HOUT, NF), jnp.float32)
    ii = jnp.arange(HOUT)
    for dh in range(KH):
        w = w.at[:, ii + dh, ii, :].set(k[dh][:, None, :])
    return w.reshape(KH, D, NOUT)


def _conv_body(h_ref, r_ref, t_ref, wh_ref, wr_ref, wt_ref, b_ref, o_ref):
    acc = jnp.dot(h_ref[...], wh_ref[...], preferred_element_type=jnp.float32)
    acc = acc + jnp.dot(r_ref[...], wr_ref[...], preferred_element_type=jnp.float32)
    acc = acc + jnp.dot(t_ref[...], wt_ref[...], preferred_element_type=jnp.float32)
    o_ref[...] = acc + b_ref[...]


def _conv_tc(h_g, r_g, t_g, wh, wr, wt, bias_row, block_b):
    b = h_g.shape[0]
    grid = (b // block_b,)
    row_spec = pl.BlockSpec((block_b, D), lambda i: (i, 0))
    w_spec = pl.BlockSpec((D, NOUT), lambda i: (0, 0))
    return pl.pallas_call(
        _conv_body,
        grid=grid,
        in_specs=[row_spec, row_spec, row_spec, w_spec, w_spec, w_spec,
                  pl.BlockSpec((1, NOUT), lambda i: (0, 0))],
        out_specs=pl.BlockSpec((block_b, NOUT), lambda i: (i, 0)),
        out_shape=jax.ShapeDtypeStruct((b, NOUT), jnp.float32),
    )(h_g, r_g, t_g, wh, wr, wt, bias_row)


def _gather_sc(h_idx, r_idx, t_idx, ent_tab, rel_tab):
    b = h_idx.shape[0]
    info = plsc.get_sparse_core_info()
    nc = info.num_cores
    nw = nc * info.num_subcores
    rows_w = b // nw
    n_ch = rows_w // CH

    @functools.partial(
        pl.kernel,
        mesh=plsc.VectorSubcoreMesh(core_axis_name="c", subcore_axis_name="s"),
        compiler_params=pltpu.CompilerParams(use_tc_tiling_on_sc=False),
        out_type=(
            jax.ShapeDtypeStruct((b, D), jnp.float32),
            jax.ShapeDtypeStruct((b, D), jnp.float32),
            jax.ShapeDtypeStruct((b, D), jnp.float32),
        ),
        scratch_types=[
            pltpu.VMEM((rows_w,), jnp.int32),
            pltpu.VMEM((rows_w,), jnp.int32),
            pltpu.VMEM((rows_w,), jnp.int32),
            pltpu.VMEM((rows_w, D), jnp.float32),
            pltpu.VMEM((rows_w, D), jnp.float32),
            pltpu.VMEM((rows_w, D), jnp.float32),
            pltpu.SemaphoreType.DMA,
        ],
    )
    def gather_kernel(hi_hbm, ri_hbm, ti_hbm, ent_hbm, rel_hbm,
                      ho_hbm, ro_hbm, to_hbm,
                      hv, rv, tv, hb, rb, tb, sem):
        wid = lax.axis_index("s") * nc + lax.axis_index("c")
        base = wid * rows_w
        pltpu.sync_copy(hi_hbm.at[pl.ds(base, rows_w)], hv)
        pltpu.sync_copy(ri_hbm.at[pl.ds(base, rows_w)], rv)
        pltpu.sync_copy(ti_hbm.at[pl.ds(base, rows_w)], tv)
        handles = []
        for c in range(n_ch):
            sl = pl.ds(c * CH, CH)
            handles.append(pltpu.async_copy(ent_hbm.at[hv.at[sl]], hb.at[sl], sem))
            handles.append(pltpu.async_copy(rel_hbm.at[rv.at[sl]], rb.at[sl], sem))
            handles.append(pltpu.async_copy(ent_hbm.at[tv.at[sl]], tb.at[sl], sem))
        for hnd in handles:
            hnd.wait()
        out_sl = pl.ds(base, rows_w)
        pltpu.sync_copy(hb, ho_hbm.at[out_sl])
        pltpu.sync_copy(rb, ro_hbm.at[out_sl])
        pltpu.sync_copy(tb, to_hbm.at[out_sl])

    return gather_kernel(h_idx, r_idx, t_idx, ent_tab, rel_tab)


def kernel(inputs, entity_embeddings, relation_embeddings, conv_kernel, conv_bias):
    idx = inputs.astype(jnp.int32)
    h_g, r_g, t_g = _gather_sc(idx[:, 0], idx[:, 1], idx[:, 2],
                               entity_embeddings, relation_embeddings)
    w = _build_band_weights(conv_kernel)
    bias_row = jnp.tile(conv_bias, HOUT)[None, :]
    return _conv_tc(h_g, r_g, t_g, w[0], w[1], w[2], bias_row, 1024)

# --- scband reference (transcript-rebuilt; emitter-appended) ---
"""Pipeline reference for scband-conv-base-model-31490700214854 (READ-ONLY COPY).

The authoritative reference and input builder live on the scoring server;
editing this copy changes nothing except your own understanding.
"""

import jax, jax.numpy as jnp
import numpy as np

B = 16384
E = 1000000
R = 100000
D = 64
N_FILTERS = 32

def setup_inputs(seed: int = 0) -> dict:
    key = jax.random.key(seed)
    k1, k2, k3, k4, k5, k6 = jax.random.split(key, 6)
    heads = jax.random.randint(k1, (B,), 0, E)
    rels = jax.random.randint(k2, (B,), 0, R)
    tails = jax.random.randint(k3, (B,), 0, E)
    inputs = jnp.stack([heads, rels, tails], axis=1)
    entity_embeddings = jax.random.truncated_normal(k4, -2.0, 2.0, (E, D), jnp.float32)
    relation_embeddings = jax.random.truncated_normal(k5, -2.0, 2.0, (R, D), jnp.float32)
    conv_kernel = jax.random.normal(k6, (3, 3, 1, N_FILTERS), jnp.float32) * 0.1
    conv_bias = jnp.zeros((N_FILTERS,), jnp.float32)
    return {
        'inputs': inputs,
        'entity_embeddings': entity_embeddings,
        'relation_embeddings': relation_embeddings,
        'conv_kernel': conv_kernel,
        'conv_bias': conv_bias,
    }

def reference(inputs, entity_embeddings, relation_embeddings, conv_kernel, conv_bias):
    # unstack triple ids
    head_ids = inputs[:, 0]
    rel_ids = inputs[:, 1]
    tail_ids = inputs[:, 2]
    # extract_and_transform_embeddings: gather + expand_dims(axis=2)
    h = jnp.take(entity_embeddings, head_ids, axis=0)[:, :, None]   # [B, D, 1]
    r = jnp.take(relation_embeddings, rel_ids, axis=0)[:, :, None]  # [B, D, 1]
    t = jnp.take(entity_embeddings, tail_ids, axis=0)[:, :, None]   # [B, D, 1]
    # normalize_embeddings = False -> no l2_normalize
    concat = jnp.concatenate([h, r, t], axis=2)  # [B, D, 3]
    image = concat[:, :, :, None]                # [B, D, 3, 1] (NHWC)
    # single Conv2D layer (3x3, valid padding, linear activation)
    conv_out = jax.lax.conv_general_dilated(
        image, conv_kernel,
        window_strides=(1, 1), padding='VALID',
        dimension_numbers=('NHWC', 'HWIO', 'NHWC')) + conv_bias
    flat = conv_out.reshape(conv_out.shape[0], -1)  # [B, (D-2)*1*N_FILTERS]
    # dropout_rate = 0.0 -> identity; include_reduce_dim_layer = False -> return flat
    return flat

if __name__ == "__main__":
    import jax
    _d = setup_inputs()
    print(jax.jit(kernel)(*tuple(_d.values())))

</pallas_src>

<mosaic_0001>
#map = affine_map<(d0, d1) -> (0)>
#map1 = affine_map<(d0, d1) -> (0, 0)>
module attributes {stable_mosaic.version = 14 : i64} {
  func.func @gather_kernel(%arg0: i32, %arg1: i32, %arg2: memref<16384xi32, #tpu.memory_space<hbm>>, %arg3: memref<16384xi32, #tpu.memory_space<hbm>>, %arg4: memref<16384xi32, #tpu.memory_space<hbm>>, %arg5: memref<1000000x64xf32, #tpu.memory_space<hbm>>, %arg6: memref<100000x64xf32, #tpu.memory_space<hbm>>, %arg7: memref<16384x64xf32, #tpu.memory_space<hbm>>, %arg8: memref<16384x64xf32, #tpu.memory_space<hbm>>, %arg9: memref<16384x64xf32, #tpu.memory_space<hbm>>, %arg10: memref<512xi32, #tpu.memory_space<vmem>>, %arg11: memref<512xi32, #tpu.memory_space<vmem>>, %arg12: memref<512xi32, #tpu.memory_space<vmem>>, %arg13: memref<512x64xf32, #tpu.memory_space<vmem>>, %arg14: memref<512x64xf32, #tpu.memory_space<vmem>>, %arg15: memref<512x64xf32, #tpu.memory_space<vmem>>, %arg16: memref<!tpu.dma_semaphore, #tpu.memory_space<semaphore_mem>>) attributes {dimension_semantics = [#tpu.dimension_semantics<core_parallel>, #tpu.dimension_semantics<subcore_parallel>], iteration_bounds = array<i64: 2, 16>, scalar_prefetch = 0 : i64, scratch_operands = 7 : i64, tpu.core_type = #tpu.core_type<sc_vector_subcore>, window_params = [{transform_indices = #map}, {transform_indices = #map}, {transform_indices = #map}, {transform_indices = #map1}, {transform_indices = #map1}, {transform_indices = #map1}, {transform_indices = #map1}, {transform_indices = #map1}]} {
    %mul3A = arith.constant 2 : i32
    %mul3A_0 = arith.muli %arg1, %mul3A : i32
    %add3A = arith.addi %mul3A_0, %arg0 : i32
    %mul3A_1 = arith.constant 512 : i32
    %mul3A_2 = arith.muli %add3A, %mul3A_1 : i32
    "tpu.region"() ({
      %run_scoped3A = tpu.sem_alloc : memref<!tpu.dma_semaphore, #tpu.memory_space<semaphore_mem>>
      %dma_start3A_193 = tpu.memref_slice %arg2[%mul3A_2] : memref<16384xi32, #tpu.memory_space<hbm>> -> memref<512xi32, #tpu.memory_space<hbm>>
      %dma_start3A_194 = tpu.memref_slice %arg2[%mul3A_2] : memref<16384xi32, #tpu.memory_space<hbm>> -> memref<512xi32, #tpu.memory_space<hbm>>
      tpu.enqueue_dma source(%dma_start3A_194 : memref<512xi32, #tpu.memory_space<hbm>>) target(%arg10 : memref<512xi32, #tpu.memory_space<vmem>>) target_semaphore(%run_scoped3A : memref<!tpu.dma_semaphore, #tpu.memory_space<semaphore_mem>>)
      %dma_wait3A_195 = tpu.memref_slice %arg2[%mul3A_2] : memref<16384xi32, #tpu.memory_space<hbm>> -> memref<512xi32, #tpu.memory_space<hbm>>
      %dma_wait3A_196 = tpu.memref_slice %arg2[%mul3A_2] : memref<16384xi32, #tpu.memory_space<hbm>> -> memref<512xi32, #tpu.memory_space<hbm>>
      tpu.wait_dma2 semaphore(%run_scoped3A : memref<!tpu.dma_semaphore, #tpu.memory_space<semaphore_mem>>) src(%dma_wait3A_196 : memref<512xi32, #tpu.memory_space<hbm>>) dst(%arg10 : memref<512xi32, #tpu.memory_space<vmem>>)
      tpu.yield
    }) : () -> ()
    "tpu.region"() ({
      %run_scoped3A = tpu.sem_alloc : memref<!tpu.dma_semaphore, #tpu.memory_space<semaphore_mem>>
      %dma_start3A_193 = tpu.memref_slice %arg3[%mul3A_2] : memref<16384xi32, #tpu.memory_space<hbm>> -> memref<512xi32, #tpu.memory_space<hbm>>
      %dma_start3A_194 = tpu.memref_slice %arg3[%mul3A_2] : memref<16384xi32, #tpu.memory_space<hbm>> -> memref<512xi32, #tpu.memory_space<hbm>>
      tpu.enqueue_dma source(%dma_start3A_194 : memref<512xi32, #tpu.memory_space<hbm>>) target(%arg11 : memref<512xi32, #tpu.memory_space<vmem>>) target_semaphore(%run_scoped3A : memref<!tpu.dma_semaphore, #tpu.memory_space<semaphore_mem>>)
      %dma_wait3A_195 = tpu.memref_slice %arg3[%mul3A_2] : memref<16384xi32, #tpu.memory_space<hbm>> -> memref<512xi32, #tpu.memory_space<hbm>>
      %dma_wait3A_196 = tpu.memref_slice %arg3[%mul3A_2] : memref<16384xi32, #tpu.memory_space<hbm>> -> memref<512xi32, #tpu.memory_space<hbm>>
      tpu.wait_dma2 semaphore(%run_scoped3A : memref<!tpu.dma_semaphore, #tpu.memory_space<semaphore_mem>>) src(%dma_wait3A_196 : memref<512xi32, #tpu.memory_space<hbm>>) dst(%arg11 : memref<512xi32, #tpu.memory_space<vmem>>)
      tpu.yield
    }) : () -> ()
    "tpu.region"() ({
      %run_scoped3A = tpu.sem_alloc : memref<!tpu.dma_semaphore, #tpu.memory_space<semaphore_mem>>
      %dma_start3A_193 = tpu.memref_slice %arg4[%mul3A_2] : memref<16384xi32, #tpu.memory_space<hbm>> -> memref<512xi32, #tpu.memory_space<hbm>>
      %dma_start3A_194 = tpu.memref_slice %arg4[%mul3A_2] : memref<16384xi32, #tpu.memory_space<hbm>> -> memref<512xi32, #tpu.memory_space<hbm>>
      tpu.enqueue_dma source(%dma_start3A_194 : memref<512xi32, #tpu.memory_space<hbm>>) target(%arg12 : memref<512xi32, #tpu.memory_space<vmem>>) target_semaphore(%run_scoped3A : memref<!tpu.dma_semaphore, #tpu.memory_space<semaphore_mem>>)
      %dma_wait3A_195 = tpu.memref_slice %arg4[%mul3A_2] : memref<16384xi32, #tpu.memory_space<hbm>> -> memref<512xi32, #tpu.memory_space<hbm>>
      %dma_wait3A_196 = tpu.memref_slice %arg4[%mul3A_2] : memref<16384xi32, #tpu.memory_space<hbm>> -> memref<512xi32, #tpu.memory_space<hbm>>
      tpu.wait_dma2 semaphore(%run_scoped3A : memref<!tpu.dma_semaphore, #tpu.memory_space<semaphore_mem>>) src(%dma_wait3A_196 : memref<512xi32, #tpu.memory_space<hbm>>) dst(%arg12 : memref<512xi32, #tpu.memory_space<vmem>>)
      tpu.yield
    }) : () -> ()
    %dma_start3A = arith.constant 0 : i32
    %dma_start3A_3 = arith.constant 0 : i32
    %dma_start3A_4 = tpu.memref_slice %arg13[%dma_start3A, %dma_start3A_3] : memref<512x64xf32, #tpu.memory_space<vmem>> -> memref<128x64xf32, #tpu.memory_space<vmem>>
    %dma_start3A_5 = arith.constant 0 : i32
    %dma_start3A_6 = tpu.memref_slice %arg10[%dma_start3A_5] : memref<512xi32, #tpu.memory_space<vmem>> -> memref<128xi32, #tpu.memory_space<vmem>>
    %dma_start3A_7 = arith.constant 0 : i32
    %dma_start3A_8 = arith.constant 0 : i32
    %dma_start3A_9 = tpu.memref_slice %arg5[%dma_start3A_7, %dma_start3A_8] : memref<1000000x64xf32, #tpu.memory_space<hbm>> -> memref<1000000x64xf32, #tpu.memory_space<hbm>>
    tpu.enqueue_indirect_dma source(%dma_start3A_9 : memref<1000000x64xf32, #tpu.memory_space<hbm>>) target(%dma_start3A_4 : memref<128x64xf32, #tpu.memory_space<vmem>>) offsets(%dma_start3A_6 : memref<128xi32, #tpu.memory_space<vmem>>) semaphore(%arg16 : memref<!tpu.dma_semaphore, #tpu.memory_space<semaphore_mem>>)
    %dma_start3A_10 = arith.constant 0 : i32
    %dma_start3A_11 = arith.constant 0 : i32
    %dma_start3A_12 = tpu.memref_slice %arg14[%dma_start3A_10, %dma_start3A_11] : memref<512x64xf32, #tpu.memory_space<vmem>> -> memref<128x64xf32, #tpu.memory_space<vmem>>
    %dma_start3A_13 = arith.constant 0 : i32
    %dma_start3A_14 = tpu.memref_slice %arg11[%dma_start3A_13] : memref<512xi32, #tpu.memory_space<vmem>> -> memref<128xi32, #tpu.memory_space<vmem>>
    %dma_start3A_15 = arith.constant 0 : i32
    %dma_start3A_16 = arith.constant 0 : i32
    %dma_start3A_17 = tpu.memref_slice %arg6[%dma_start3A_15, %dma_start3A_16] : memref<100000x64xf32, #tpu.memory_space<hbm>> -> memref<100000x64xf32, #tpu.memory_space<hbm>>
    tpu.enqueue_indirect_dma source(%dma_start3A_17 : memref<100000x64xf32, #tpu.memory_space<hbm>>) target(%dma_start3A_12 : memref<128x64xf32, #tpu.memory_space<vmem>>) offsets(%dma_start3A_14 : memref<128xi32, #tpu.memory_space<vmem>>) semaphore(%arg16 : memref<!tpu.dma_semaphore, #tpu.memory_space<semaphore_mem>>)
    %dma_start3A_18 = arith.constant 0 : i32
    %dma_start3A_19 = arith.constant 0 : i32
    %dma_start3A_20 = tpu.memref_slice %arg15[%dma_start3A_18, %dma_start3A_19] : memref<512x64xf32, #tpu.memory_space<vmem>> -> memref<128x64xf32, #tpu.memory_space<vmem>>
    %dma_start3A_21 = arith.constant 0 : i32
    %dma_start3A_22 = tpu.memref_slice %arg12[%dma_start3A_21] : memref<512xi32, #tpu.memory_space<vmem>> -> memref<128xi32, #tpu.memory_space<vmem>>
    %dma_start3A_23 = arith.constant 0 : i32
    %dma_start3A_24 = arith.constant 0 : i32
    %dma_start3A_25 = tpu.memref_slice %arg5[%dma_start3A_23, %dma_start3A_24] : memref<1000000x64xf32, #tpu.memory_space<hbm>> -> memref<1000000x64xf32, #tpu.memory_space<hbm>>
    tpu.enqueue_indirect_dma source(%dma_start3A_25 : memref<1000000x64xf32, #tpu.memory_space<hbm>>) target(%dma_start3A_20 : memref<128x64xf32, #tpu.memory_space<vmem>>) offsets(%dma_start3A_22 : memref<128xi32, #tpu.memory_space<vmem>>) semaphore(%arg16 : memref<!tpu.dma_semaphore, #tpu.memory_space<semaphore_mem>>)
    %dma_start3A_26 = arith.constant 128 : i32
    %dma_start3A_27 = arith.constant 0 : i32
    %dma_start3A_28 = tpu.memref_slice %arg13[%dma_start3A_26, %dma_start3A_27] : memref<512x64xf32, #tpu.memory_space<vmem>> -> memref<128x64xf32, #tpu.memory_space<vmem>>
    %dma_start3A_29 = arith.constant 128 : i32
    %dma_start3A_30 = tpu.memref_slice %arg10[%dma_start3A_29] : memref<512xi32, #tpu.memory_space<vmem>> -> memref<128xi32, #tpu.memory_space<vmem>>
    %dma_start3A_31 = arith.constant 0 : i32
    %dma_start3A_32 = arith.constant 0 : i32
    %dma_start3A_33 = tpu.memref_slice %arg5[%dma_start3A_31, %dma_start3A_32] : memref<1000000x64xf32, #tpu.memory_space<hbm>> -> memref<1000000x64xf32, #tpu.memory_space<hbm>>
    tpu.enqueue_indirect_dma source(%dma_start3A_33 : memref<1000000x64xf32, #tpu.memory_space<hbm>>) target(%dma_start3A_28 : memref<128x64xf32, #tpu.memory_space<vmem>>) offsets(%dma_start3A_30 : memref<128xi32, #tpu.memory_space<vmem>>) semaphore(%arg16 : memref<!tpu.dma_semaphore, #tpu.memory_space<semaphore_mem>>)
    %dma_start3A_34 = arith.constant 128 : i32
    %dma_start3A_35 = arith.constant 0 : i32
    %dma_start3A_36 = tpu.memref_slice %arg14[%dma_start3A_34, %dma_start3A_35] : memref<512x64xf32, #tpu.memory_space<vmem>> -> memref<128x64xf32, #tpu.memory_space<vmem>>
    %dma_start3A_37 = arith.constant 128 : i32
    %dma_start3A_38 = tpu.memref_slice %arg11[%dma_start3A_37] : memref<512xi32, #tpu.memory_space<vmem>> -> memref<128xi32, #tpu.memory_space<vmem>>
    %dma_start3A_39 = arith.constant 0 : i32
    %dma_start3A_40 = arith.constant 0 : i32
    %dma_start3A_41 = tpu.memref_slice %arg6[%dma_start3A_39, %dma_start3A_40] : memref<100000x64xf32, #tpu.memory_space<hbm>> -> memref<100000x64xf32, #tpu.memory_space<hbm>>
    tpu.enqueue_indirect_dma source(%dma_start3A_41 : memref<100000x64xf32, #tpu.memory_space<hbm>>) target(%dma_start3A_36 : memref<128x64xf32, #tpu.memory_space<vmem>>) offsets(%dma_start3A_38 : memref<128xi32, #tpu.memory_space<vmem>>) semaphore(%arg16 : memref<!tpu.dma_semaphore, #tpu.memory_space<semaphore_mem>>)
    %dma_start3A_42 = arith.constant 128 : i32
    %dma_start3A_43 = arith.constant 0 : i32
    %dma_start3A_44 = tpu.memref_slice %arg15[%dma_start3A_42, %dma_start3A_43] : memref<512x64xf32, #tpu.memory_space<vmem>> -> memref<128x64xf32, #tpu.memory_space<vmem>>
    %dma_start3A_45 = arith.constant 128 : i32
    %dma_start3A_46 = tpu.memref_slice %arg12[%dma_start3A_45] : memref<512xi32, #tpu.memory_space<vmem>> -> memref<128xi32, #tpu.memory_space<vmem>>
    %dma_start3A_47 = arith.constant 0 : i32
    %dma_start3A_48 = arith.constant 0 : i32
    %dma_start3A_49 = tpu.memref_slice %arg5[%dma_start3A_47, %dma_start3A_48] : memref<1000000x64xf32, #tpu.memory_space<hbm>> -> memref<1000000x64xf32, #tpu.memory_space<hbm>>
    tpu.enqueue_indirect_dma source(%dma_start3A_49 : memref<1000000x64xf32, #tpu.memory_space<hbm>>) target(%dma_start3A_44 : memref<128x64xf32, #tpu.memory_space<vmem>>) offsets(%dma_start3A_46 : memref<128xi32, #tpu.memory_space<vmem>>) semaphore(%arg16 : memref<!tpu.dma_semaphore, #tpu.memory_space<semaphore_mem>>)
    %dma_start3A_50 = arith.constant 256 : i32
    %dma_start3A_51 = arith.constant 0 : i32
    %dma_start3A_52 = tpu.memref_slice %arg13[%dma_start3A_50, %dma_start3A_51] : memref<512x64xf32, #tpu.memory_space<vmem>> -> memref<128x64xf32, #tpu.memory_space<vmem>>
    %dma_start3A_53 = arith.constant 256 : i32
    %dma_start3A_54 = tpu.memref_slice %arg10[%dma_start3A_53] : memref<512xi32, #tpu.memory_space<vmem>> -> memref<128xi32, #tpu.memory_space<vmem>>
    %dma_start3A_55 = arith.constant 0 : i32
    %dma_start3A_56 = arith.constant 0 : i32
    %dma_start3A_57 = tpu.memref_slice %arg5[%dma_start3A_55, %dma_start3A_56] : memref<1000000x64xf32, #tpu.memory_space<hbm>> -> memref<1000000x64xf32, #tpu.memory_space<hbm>>
    tpu.enqueue_indirect_dma source(%dma_start3A_57 : memref<1000000x64xf32, #tpu.memory_space<hbm>>) target(%dma_start3A_52 : memref<128x64xf32, #tpu.memory_space<vmem>>) offsets(%dma_start3A_54 : memref<128xi32, #tpu.memory_space<vmem>>) semaphore(%arg16 : memref<!tpu.dma_semaphore, #tpu.memory_space<semaphore_mem>>)
    %dma_start3A_58 = arith.constant 256 : i32
    %dma_start3A_59 = arith.constant 0 : i32
    %dma_start3A_60 = tpu.memref_slice %arg14[%dma_start3A_58, %dma_start3A_59] : memref<512x64xf32, #tpu.memory_space<vmem>> -> memref<128x64xf32, #tpu.memory_space<vmem>>
    %dma_start3A_61 = arith.constant 256 : i32
    %dma_start3A_62 = tpu.memref_slice %arg11[%dma_start3A_61] : memref<512xi32, #tpu.memory_space<vmem>> -> memref<128xi32, #tpu.memory_space<vmem>>
    %dma_start3A_63 = arith.constant 0 : i32
    %dma_start3A_64 = arith.constant 0 : i32
    %dma_start3A_65 = tpu.memref_slice %arg6[%dma_start3A_63, %dma_start3A_64] : memref<100000x64xf32, #tpu.memory_space<hbm>> -> memref<100000x64xf32, #tpu.memory_space<hbm>>
    tpu.enqueue_indirect_dma source(%dma_start3A_65 : memref<100000x64xf32, #tpu.memory_space<hbm>>) target(%dma_start3A_60 : memref<128x64xf32, #tpu.memory_space<vmem>>) offsets(%dma_start3A_62 : memref<128xi32, #tpu.memory_space<vmem>>) semaphore(%arg16 : memref<!tpu.dma_semaphore, #tpu.memory_space<semaphore_mem>>)
    %dma_start3A_66 = arith.constant 256 : i32
    %dma_start3A_67 = arith.constant 0 : i32
    %dma_start3A_68 = tpu.memref_slice %arg15[%dma_start3A_66, %dma_start3A_67] : memref<512x64xf32, #tpu.memory_space<vmem>> -> memref<128x64xf32, #tpu.memory_space<vmem>>
    %dma_start3A_69 = arith.constant 256 : i32
    %dma_start3A_70 = tpu.memref_slice %arg12[%dma_start3A_69] : memref<512xi32, #tpu.memory_space<vmem>> -> memref<128xi32, #tpu.memory_space<vmem>>
    %dma_start3A_71 = arith.constant 0 : i32
    %dma_start3A_72 = arith.constant 0 : i32
    %dma_start3A_73 = tpu.memref_slice %arg5[%dma_start3A_71, %dma_start3A_72] : memref<1000000x64xf32, #tpu.memory_space<hbm>> -> memref<1000000x64xf32, #tpu.memory_space<hbm>>
    tpu.enqueue_indirect_dma source(%dma_start3A_73 : memref<1000000x64xf32, #tpu.memory_space<hbm>>) target(%dma_start3A_68 : memref<128x64xf32, #tpu.memory_space<vmem>>) offsets(%dma_start3A_70 : memref<128xi32, #tpu.memory_space<vmem>>) semaphore(%arg16 : memref<!tpu.dma_semaphore, #tpu.memory_space<semaphore_mem>>)
    %dma_start3A_74 = arith.constant 384 : i32
    %dma_start3A_75 = arith.constant 0 : i32
    %dma_start3A_76 = tpu.memref_slice %arg13[%dma_start3A_74, %dma_start3A_75] : memref<512x64xf32, #tpu.memory_space<vmem>> -> memref<128x64xf32, #tpu.memory_space<vmem>>
    %dma_start3A_77 = arith.constant 384 : i32
    %dma_start3A_78 = tpu.memref_slice %arg10[%dma_start3A_77] : memref<512xi32, #tpu.memory_space<vmem>> -> memref<128xi32, #tpu.memory_space<vmem>>
    %dma_start3A_79 = arith.constant 0 : i32
    %dma_start3A_80 = arith.constant 0 : i32
    %dma_start3A_81 = tpu.memref_slice %arg5[%dma_start3A_79, %dma_start3A_80] : memref<1000000x64xf32, #tpu.memory_space<hbm>> -> memref<1000000x64xf32, #tpu.memory_space<hbm>>
    tpu.enqueue_indirect_dma source(%dma_start3A_81 : memref<1000000x64xf32, #tpu.memory_space<hbm>>) target(%dma_start3A_76 : memref<128x64xf32, #tpu.memory_space<vmem>>) offsets(%dma_start3A_78 : memref<128xi32, #tpu.memory_space<vmem>>) semaphore(%arg16 : memref<!tpu.dma_semaphore, #tpu.memory_space<semaphore_mem>>)
    %dma_start3A_82 = arith.constant 384 : i32
    %dma_start3A_83 = arith.constant 0 : i32
    %dma_start3A_84 = tpu.memref_slice %arg14[%dma_start3A_82, %dma_start3A_83] : memref<512x64xf32, #tpu.memory_space<vmem>> -> memref<128x64xf32, #tpu.memory_space<vmem>>
    %dma_start3A_85 = arith.constant 384 : i32
    %dma_start3A_86 = tpu.memref_slice %arg11[%dma_start3A_85] : memref<512xi32, #tpu.memory_space<vmem>> -> memref<128xi32, #tpu.memory_space<vmem>>
    %dma_start3A_87 = arith.constant 0 : i32
    %dma_start3A_88 = arith.constant 0 : i32
    %dma_start3A_89 = tpu.memref_slice %arg6[%dma_start3A_87, %dma_start3A_88] : memref<100000x64xf32, #tpu.memory_space<hbm>> -> memref<100000x64xf32, #tpu.memory_space<hbm>>
    tpu.enqueue_indirect_dma source(%dma_start3A_89 : memref<100000x64xf32, #tpu.memory_space<hbm>>) target(%dma_start3A_84 : memref<128x64xf32, #tpu.memory_space<vmem>>) offsets(%dma_start3A_86 : memref<128xi32, #tpu.memory_space<vmem>>) semaphore(%arg16 : memref<!tpu.dma_semaphore, #tpu.memory_space<semaphore_mem>>)
    %dma_start3A_90 = arith.constant 384 : i32
    %dma_start3A_91 = arith.constant 0 : i32
    %dma_start3A_92 = tpu.memref_slice %arg15[%dma_start3A_90, %dma_start3A_91] : memref<512x64xf32, #tpu.memory_space<vmem>> -> memref<128x64xf32, #tpu.memory_space<vmem>>
    %dma_start3A_93 = arith.constant 384 : i32
    %dma_start3A_94 = tpu.memref_slice %arg12[%dma_start3A_93] : memref<512xi32, #tpu.memory_space<vmem>> -> memref<128xi32, #tpu.memory_space<vmem>>
    %dma_start3A_95 = arith.constant 0 : i32
    %dma_start3A_96 = arith.constant 0 : i32
    %dma_start3A_97 = tpu.memref_slice %arg5[%dma_start3A_95, %dma_start3A_96] : memref<1000000x64xf32, #tpu.memory_space<hbm>> -> memref<1000000x64xf32, #tpu.memory_space<hbm>>
    tpu.enqueue_indirect_dma source(%dma_start3A_97 : memref<1000000x64xf32, #tpu.memory_space<hbm>>) target(%dma_start3A_92 : memref<128x64xf32, #tpu.memory_space<vmem>>) offsets(%dma_start3A_94 : memref<128xi32, #tpu.memory_space<vmem>>) semaphore(%arg16 : memref<!tpu.dma_semaphore, #tpu.memory_space<semaphore_mem>>)
    %dma_wait3A = arith.constant 0 : i32
    %dma_wait3A_98 = arith.constant 0 : i32
    %dma_wait3A_99 = tpu.memref_slice %arg13[%dma_wait3A, %dma_wait3A_98] : memref<512x64xf32, #tpu.memory_space<vmem>> -> memref<128x64xf32, #tpu.memory_space<vmem>>
    %dma_wait3A_100 = arith.constant 0 : i32
    %dma_wait3A_101 = tpu.memref_slice %arg10[%dma_wait3A_100] : memref<512xi32, #tpu.memory_space<vmem>> -> memref<128xi32, #tpu.memory_space<vmem>>
    %dma_wait3A_102 = arith.constant 0 : i32
    %dma_wait3A_103 = arith.constant 0 : i32
    %dma_wait3A_104 = tpu.memref_slice %arg5[%dma_wait3A_102, %dma_wait3A_103] : memref<1000000x64xf32, #tpu.memory_space<hbm>> -> memref<1000000x64xf32, #tpu.memory_space<hbm>>
    tpu.wait_indirect_dma semaphore(%arg16 : memref<!tpu.dma_semaphore, #tpu.memory_space<semaphore_mem>>) src(%dma_wait3A_104 : memref<1000000x64xf32, #tpu.memory_space<hbm>>) dst(%dma_wait3A_99 : memref<128x64xf32, #tpu.memory_space<vmem>>)
    %dma_wait3A_105 = arith.constant 0 : i32
    %dma_wait3A_106 = arith.constant 0 : i32
    %dma_wait3A_107 = tpu.memref_slice %arg14[%dma_wait3A_105, %dma_wait3A_106] : memref<512x64xf32, #tpu.memory_space<vmem>> -> memref<128x64xf32, #tpu.memory_space<vmem>>
    %dma_wait3A_108 = arith.constant 0 : i32
    %dma_wait3A_109 = tpu.memref_slice %arg11[%dma_wait3A_108] : memref<512xi32, #tpu.memory_space<vmem>> -> memref<128xi32, #tpu.memory_space<vmem>>
    %dma_wait3A_110 = arith.constant 0 : i32
    %dma_wait3A_111 = arith.constant 0 : i32
    %dma_wait3A_112 = tpu.memref_slice %arg6[%dma_wait3A_110, %dma_wait3A_111] : memref<100000x64xf32, #tpu.memory_space<hbm>> -> memref<100000x64xf32, #tpu.memory_space<hbm>>
    tpu.wait_indirect_dma semaphore(%arg16 : memref<!tpu.dma_semaphore, #tpu.memory_space<semaphore_mem>>) src(%dma_wait3A_112 : memref<100000x64xf32, #tpu.memory_space<hbm>>) dst(%dma_wait3A_107 : memref<128x64xf32, #tpu.memory_space<vmem>>)
    %dma_wait3A_113 = arith.constant 0 : i32
    %dma_wait3A_114 = arith.constant 0 : i32
    %dma_wait3A_115 = tpu.memref_slice %arg15[%dma_wait3A_113, %dma_wait3A_114] : memref<512x64xf32, #tpu.memory_space<vmem>> -> memref<128x64xf32, #tpu.memory_space<vmem>>
    %dma_wait3A_116 = arith.constant 0 : i32
    %dma_wait3A_117 = tpu.memref_slice %arg12[%dma_wait3A_116] : memref<512xi32, #tpu.memory_space<vmem>> -> memref<128xi32, #tpu.memory_space<vmem>>
    %dma_wait3A_118 = arith.constant 0 : i32
    %dma_wait3A_119 = arith.constant 0 : i32
    %dma_wait3A_120 = tpu.memref_slice %arg5[%dma_wait3A_118, %dma_wait3A_119] : memref<1000000x64xf32, #tpu.memory_space<hbm>> -> memref<1000000x64xf32, #tpu.memory_space<hbm>>
    tpu.wait_indirect_dma semaphore(%arg16 : memref<!tpu.dma_semaphore, #tpu.memory_space<semaphore_mem>>) src(%dma_wait3A_120 : memref<1000000x64xf32, #tpu.memory_space<hbm>>) dst(%dma_wait3A_115 : memref<128x64xf32, #tpu.memory_space<vmem>>)
    %dma_wait3A_121 = arith.constant 128 : i32
    %dma_wait3A_122 = arith.constant 0 : i32
    %dma_wait3A_123 = tpu.memref_slice %arg13[%dma_wait3A_121, %dma_wait3A_122] : memref<512x64xf32, #tpu.memory_space<vmem>> -> memref<128x64xf32, #tpu.memory_space<vmem>>
    %dma_wait3A_124 = arith.constant 128 : i32
    %dma_wait3A_125 = tpu.memref_slice %arg10[%dma_wait3A_124] : memref<512xi32, #tpu.memory_space<vmem>> -> memref<128xi32, #tpu.memory_space<vmem>>
    %dma_wait3A_126 = arith.constant 0 : i32
    %dma_wait3A_127 = arith.constant 0 : i32
    %dma_wait3A_128 = tpu.memref_slice %arg5[%dma_wait3A_126, %dma_wait3A_127] : memref<1000000x64xf32, #tpu.memory_space<hbm>> -> memref<1000000x64xf32, #tpu.memory_space<hbm>>
    tpu.wait_indirect_dma semaphore(%arg16 : memref<!tpu.dma_semaphore, #tpu.memory_space<semaphore_mem>>) src(%dma_wait3A_128 : memref<1000000x64xf32, #tpu.memory_space<hbm>>) dst(%dma_wait3A_123 : memref<128x64xf32, #tpu.memory_space<vmem>>)
    %dma_wait3A_129 = arith.constant 128 : i32
    %dma_wait3A_130 = arith.constant 0 : i32
    %dma_wait3A_131 = tpu.memref_slice %arg14[%dma_wait3A_129, %dma_wait3A_130] : memref<512x64xf32, #tpu.memory_space<vmem>> -> memref<128x64xf32, #tpu.memory_space<vmem>>
    %dma_wait3A_132 = arith.constant 128 : i32
    %dma_wait3A_133 = tpu.memref_slice %arg11[%dma_wait3A_132] : memref<512xi32, #tpu.memory_space<vmem>> -> memref<128xi32, #tpu.memory_space<vmem>>
    %dma_wait3A_134 = arith.constant 0 : i32
    %dma_wait3A_135 = arith.constant 0 : i32
    %dma_wait3A_136 = tpu.memref_slice %arg6[%dma_wait3A_134, %dma_wait3A_135] : memref<100000x64xf32, #tpu.memory_space<hbm>> -> memref<100000x64xf32, #tpu.memory_space<hbm>>
    tpu.wait_indirect_dma semaphore(%arg16 : memref<!tpu.dma_semaphore, #tpu.memory_space<semaphore_mem>>) src(%dma_wait3A_136 : memref<100000x64xf32, #tpu.memory_space<hbm>>) dst(%dma_wait3A_131 : memref<128x64xf32, #tpu.memory_space<vmem>>)
    %dma_wait3A_137 = arith.constant 128 : i32
    %dma_wait3A_138 = arith.constant 0 : i32
    %dma_wait3A_139 = tpu.memref_slice %arg15[%dma_wait3A_137, %dma_wait3A_138] : memref<512x64xf32, #tpu.memory_space<vmem>> -> memref<128x64xf32, #tpu.memory_space<vmem>>
    %dma_wait3A_140 = arith.constant 128 : i32
    %dma_wait3A_141 = tpu.memref_slice %arg12[%dma_wait3A_140] : memref<512xi32, #tpu.memory_space<vmem>> -> memref<128xi32, #tpu.memory_space<vmem>>
    %dma_wait3A_142 = arith.constant 0 : i32
    %dma_wait3A_143 = arith.constant 0 : i32
    %dma_wait3A_144 = tpu.memref_slice %arg5[%dma_wait3A_142, %dma_wait3A_143] : memref<1000000x64xf32, #tpu.memory_space<hbm>> -> memref<1000000x64xf32, #tpu.memory_space<hbm>>
    tpu.wait_indirect_dma semaphore(%arg16 : memref<!tpu.dma_semaphore, #tpu.memory_space<semaphore_mem>>) src(%dma_wait3A_144 : memref<1000000x64xf32, #tpu.memory_space<hbm>>) dst(%dma_wait3A_139 : memref<128x64xf32, #tpu.memory_space<vmem>>)
    %dma_wait3A_145 = arith.constant 256 : i32
    %dma_wait3A_146 = arith.constant 0 : i32
    %dma_wait3A_147 = tpu.memref_slice %arg13[%dma_wait3A_145, %dma_wait3A_146] : memref<512x64xf32, #tpu.memory_space<vmem>> -> memref<128x64xf32, #tpu.memory_space<vmem>>
    %dma_wait3A_148 = arith.constant 256 : i32
    %dma_wait3A_149 = tpu.memref_slice %arg10[%dma_wait3A_148] : memref<512xi32, #tpu.memory_space<vmem>> -> memref<128xi32, #tpu.memory_space<vmem>>
    %dma_wait3A_150 = arith.constant 0 : i32
    %dma_wait3A_151 = arith.constant 0 : i32
    %dma_wait3A_152 = tpu.memref_slice %arg5[%dma_wait3A_150, %dma_wait3A_151] : memref<1000000x64xf32, #tpu.memory_space<hbm>> -> memref<1000000x64xf32, #tpu.memory_space<hbm>>
    tpu.wait_indirect_dma semaphore(%arg16 : memref<!tpu.dma_semaphore, #tpu.memory_space<semaphore_mem>>) src(%dma_wait3A_152 : memref<1000000x64xf32, #tpu.memory_space<hbm>>) dst(%dma_wait3A_147 : memref<128x64xf32, #tpu.memory_space<vmem>>)
    %dma_wait3A_153 = arith.constant 256 : i32
    %dma_wait3A_154 = arith.constant 0 : i32
    %dma_wait3A_155 = tpu.memref_slice %arg14[%dma_wait3A_153, %dma_wait3A_154] : memref<512x64xf32, #tpu.memory_space<vmem>> -> memref<128x64xf32, #tpu.memory_space<vmem>>
    %dma_wait3A_156 = arith.constant 256 : i32
    %dma_wait3A_157 = tpu.memref_slice %arg11[%dma_wait3A_156] : memref<512xi32, #tpu.memory_space<vmem>> -> memref<128xi32, #tpu.memory_space<vmem>>
    %dma_wait3A_158 = arith.constant 0 : i32
    %dma_wait3A_159 = arith.constant 0 : i32
    %dma_wait3A_160 = tpu.memref_slice %arg6[%dma_wait3A_158, %dma_wait3A_159] : memref<100000x64xf32, #tpu.memory_space<hbm>> -> memref<100000x64xf32, #tpu.memory_space<hbm>>
    tpu.wait_indirect_dma semaphore(%arg16 : memref<!tpu.dma_semaphore, #tpu.memory_space<semaphore_mem>>) src(%dma_wait3A_160 : memref<100000x64xf32, #tpu.memory_space<hbm>>) dst(%dma_wait3A_155 : memref<128x64xf32, #tpu.memory_space<vmem>>)
    %dma_wait3A_161 = arith.constant 256 : i32
    %dma_wait3A_162 = arith.constant 0 : i32
    %dma_wait3A_163 = tpu.memref_slice %arg15[%dma_wait3A_161, %dma_wait3A_162] : memref<512x64xf32, #tpu.memory_space<vmem>> -> memref<128x64xf32, #tpu.memory_space<vmem>>
    %dma_wait3A_164 = arith.constant 256 : i32
    %dma_wait3A_165 = tpu.memref_slice %arg12[%dma_wait3A_164] : memref<512xi32, #tpu.memory_space<vmem>> -> memref<128xi32, #tpu.memory_space<vmem>>
    %dma_wait3A_166 = arith.constant 0 : i32
    %dma_wait3A_167 = arith.constant 0 : i32
    %dma_wait3A_168 = tpu.memref_slice %arg5[%dma_wait3A_166, %dma_wait3A_167] : memref<1000000x64xf32, #tpu.memory_space<hbm>> -> memref<1000000x64xf32, #tpu.memory_space<hbm>>
    tpu.wait_indirect_dma semaphore(%arg16 : memref<!tpu.dma_semaphore, #tpu.memory_space<semaphore_mem>>) src(%dma_wait3A_168 : memref<1000000x64xf32, #tpu.memory_space<hbm>>) dst(%dma_wait3A_163 : memref<128x64xf32, #tpu.memory_space<vmem>>)
    %dma_wait3A_169 = arith.constant 384 : i32
    %dma_wait3A_170 = arith.constant 0 : i32
    %dma_wait3A_171 = tpu.memref_slice %arg13[%dma_wait3A_169, %dma_wait3A_170] : memref<512x64xf32, #tpu.memory_space<vmem>> -> memref<128x64xf32, #tpu.memory_space<vmem>>
    %dma_wait3A_172 = arith.constant 384 : i32
    %dma_wait3A_173 = tpu.memref_slice %arg10[%dma_wait3A_172] : memref<512xi32, #tpu.memory_space<vmem>> -> memref<128xi32, #tpu.memory_space<vmem>>
    %dma_wait3A_174 = arith.constant 0 : i32
    %dma_wait3A_175 = arith.constant 0 : i32
    %dma_wait3A_176 = tpu.memref_slice %arg5[%dma_wait3A_174, %dma_wait3A_175] : memref<1000000x64xf32, #tpu.memory_space<hbm>> -> memref<1000000x64xf32, #tpu.memory_space<hbm>>
    tpu.wait_indirect_dma semaphore(%arg16 : memref<!tpu.dma_semaphore, #tpu.memory_space<semaphore_mem>>) src(%dma_wait3A_176 : memref<1000000x64xf32, #tpu.memory_space<hbm>>) dst(%dma_wait3A_171 : memref<128x64xf32, #tpu.memory_space<vmem>>)
    %dma_wait3A_177 = arith.constant 384 : i32
    %dma_wait3A_178 = arith.constant 0 : i32
    %dma_wait3A_179 = tpu.memref_slice %arg14[%dma_wait3A_177, %dma_wait3A_178] : memref<512x64xf32, #tpu.memory_space<vmem>> -> memref<128x64xf32, #tpu.memory_space<vmem>>
    %dma_wait3A_180 = arith.constant 384 : i32
    %dma_wait3A_181 = tpu.memref_slice %arg11[%dma_wait3A_180] : memref<512xi32, #tpu.memory_space<vmem>> -> memref<128xi32, #tpu.memory_space<vmem>>
    %dma_wait3A_182 = arith.constant 0 : i32
    %dma_wait3A_183 = arith.constant 0 : i32
    %dma_wait3A_184 = tpu.memref_slice %arg6[%dma_wait3A_182, %dma_wait3A_183] : memref<100000x64xf32, #tpu.memory_space<hbm>> -> memref<100000x64xf32, #tpu.memory_space<hbm>>
    tpu.wait_indirect_dma semaphore(%arg16 : memref<!tpu.dma_semaphore, #tpu.memory_space<semaphore_mem>>) src(%dma_wait3A_184 : memref<100000x64xf32, #tpu.memory_space<hbm>>) dst(%dma_wait3A_179 : memref<128x64xf32, #tpu.memory_space<vmem>>)
    %dma_wait3A_185 = arith.constant 384 : i32
    %dma_wait3A_186 = arith.constant 0 : i32
    %dma_wait3A_187 = tpu.memref_slice %arg15[%dma_wait3A_185, %dma_wait3A_186] : memref<512x64xf32, #tpu.memory_space<vmem>> -> memref<128x64xf32, #tpu.memory_space<vmem>>
    %dma_wait3A_188 = arith.constant 384 : i32
    %dma_wait3A_189 = tpu.memref_slice %arg12[%dma_wait3A_188] : memref<512xi32, #tpu.memory_space<vmem>> -> memref<128xi32, #tpu.memory_space<vmem>>
    %dma_wait3A_190 = arith.constant 0 : i32
    %dma_wait3A_191 = arith.constant 0 : i32
    %dma_wait3A_192 = tpu.memref_slice %arg5[%dma_wait3A_190, %dma_wait3A_191] : memref<1000000x64xf32, #tpu.memory_space<hbm>> -> memref<1000000x64xf32, #tpu.memory_space<hbm>>
    tpu.wait_indirect_dma semaphore(%arg16 : memref<!tpu.dma_semaphore, #tpu.memory_space<semaphore_mem>>) src(%dma_wait3A_192 : memref<1000000x64xf32, #tpu.memory_space<hbm>>) dst(%dma_wait3A_187 : memref<128x64xf32, #tpu.memory_space<vmem>>)
    "tpu.region"() ({
      %run_scoped3A = tpu.sem_alloc : memref<!tpu.dma_semaphore, #tpu.memory_space<semaphore_mem>>
      %dma_start3A_193 = arith.constant 0 : i32
      %dma_start3A_194 = tpu.memref_slice %arg7[%mul3A_2, %dma_start3A_193] : memref<16384x64xf32, #tpu.memory_space<hbm>> -> memref<512x64xf32, #tpu.memory_space<hbm>>
      %dma_start3A_195 = arith.constant 0 : i32
      %dma_start3A_196 = tpu.memref_slice %arg7[%mul3A_2, %dma_start3A_195] : memref<16384x64xf32, #tpu.memory_space<hbm>> -> memref<512x64xf32, #tpu.memory_space<hbm>>
      tpu.enqueue_dma source(%arg13 : memref<512x64xf32, #tpu.memory_space<vmem>>) target(%dma_start3A_196 : memref<512x64xf32, #tpu.memory_space<hbm>>) target_semaphore(%run_scoped3A : memref<!tpu.dma_semaphore, #tpu.memory_space<semaphore_mem>>)
      %dma_wait3A_197 = arith.constant 0 : i32
      %dma_wait3A_198 = tpu.memref_slice %arg7[%mul3A_2, %dma_wait3A_197] : memref<16384x64xf32, #tpu.memory_space<hbm>> -> memref<512x64xf32, #tpu.memory_space<hbm>>
      %dma_wait3A_199 = arith.constant 0 : i32
      %dma_wait3A_200 = tpu.memref_slice %arg7[%mul3A_2, %dma_wait3A_199] : memref<16384x64xf32, #tpu.memory_space<hbm>> -> memref<512x64xf32, #tpu.memory_space<hbm>>
      tpu.wait_dma2 semaphore(%run_scoped3A : memref<!tpu.dma_semaphore, #tpu.memory_space<semaphore_mem>>) src(%arg13 : memref<512x64xf32, #tpu.memory_space<vmem>>) dst(%dma_wait3A_200 : memref<512x64xf32, #tpu.memory_space<hbm>>)
      tpu.yield
    }) : () -> ()
    "tpu.region"() ({
      %run_scoped3A = tpu.sem_alloc : memref<!tpu.dma_semaphore, #tpu.memory_space<semaphore_mem>>
      %dma_start3A_193 = arith.constant 0 : i32
      %dma_start3A_194 = tpu.memref_slice %arg8[%mul3A_2, %dma_start3A_193] : memref<16384x64xf32, #tpu.memory_space<hbm>> -> memref<512x64xf32, #tpu.memory_space<hbm>>
      %dma_start3A_195 = arith.constant 0 : i32
      %dma_start3A_196 = tpu.memref_slice %arg8[%mul3A_2, %dma_start3A_195] : memref<16384x64xf32, #tpu.memory_space<hbm>> -> memref<512x64xf32, #tpu.memory_space<hbm>>
      tpu.enqueue_dma source(%arg14 : memref<512x64xf32, #tpu.memory_space<vmem>>) target(%dma_start3A_196 : memref<512x64xf32, #tpu.memory_space<hbm>>) target_semaphore(%run_scoped3A : memref<!tpu.dma_semaphore, #tpu.memory_space<semaphore_mem>>)
      %dma_wait3A_197 = arith.constant 0 : i32
      %dma_wait3A_198 = tpu.memref_slice %arg8[%mul3A_2, %dma_wait3A_197] : memref<16384x64xf32, #tpu.memory_space<hbm>> -> memref<512x64xf32, #tpu.memory_space<hbm>>
      %dma_wait3A_199 = arith.constant 0 : i32
      %dma_wait3A_200 = tpu.memref_slice %arg8[%mul3A_2, %dma_wait3A_199] : memref<16384x64xf32, #tpu.memory_space<hbm>> -> memref<512x64xf32, #tpu.memory_space<hbm>>
      tpu.wait_dma2 semaphore(%run_scoped3A : memref<!tpu.dma_semaphore, #tpu.memory_space<semaphore_mem>>) src(%arg14 : memref<512x64xf32, #tpu.memory_space<vmem>>) dst(%dma_wait3A_200 : memref<512x64xf32, #tpu.memory_space<hbm>>)
      tpu.yield
    }) : () -> ()
    "tpu.region"() ({
      %run_scoped3A = tpu.sem_alloc : memref<!tpu.dma_semaphore, #tpu.memory_space<semaphore_mem>>
      %dma_start3A_193 = arith.constant 0 : i32
      %dma_start3A_194 = tpu.memref_slice %arg9[%mul3A_2, %dma_start3A_193] : memref<16384x64xf32, #tpu.memory_space<hbm>> -> memref<512x64xf32, #tpu.memory_space<hbm>>
      %dma_start3A_195 = arith.constant 0 : i32
      %dma_start3A_196 = tpu.memref_slice %arg9[%mul3A_2, %dma_start3A_195] : memref<16384x64xf32, #tpu.memory_space<hbm>> -> memref<512x64xf32, #tpu.memory_space<hbm>>
      tpu.enqueue_dma source(%arg15 : memref<512x64xf32, #tpu.memory_space<vmem>>) target(%dma_start3A_196 : memref<512x64xf32, #tpu.memory_space<hbm>>) target_semaphore(%run_scoped3A : memref<!tpu.dma_semaphore, #tpu.memory_space<semaphore_mem>>)
      %dma_wait3A_197 = arith.constant 0 : i32
      %dma_wait3A_198 = tpu.memref_slice %arg9[%mul3A_2, %dma_wait3A_197] : memref<16384x64xf32, #tpu.memory_space<hbm>> -> memref<512x64xf32, #tpu.memory_space<hbm>>
      %dma_wait3A_199 = arith.constant 0 : i32
      %dma_wait3A_200 = tpu.memref_slice %arg9[%mul3A_2, %dma_wait3A_199] : memref<16384x64xf32, #tpu.memory_space<hbm>> -> memref<512x64xf32, #tpu.memory_space<hbm>>
      tpu.wait_dma2 semaphore(%run_scoped3A : memref<!tpu.dma_semaphore, #tpu.memory_space<semaphore_mem>>) src(%arg15 : memref<512x64xf32, #tpu.memory_space<vmem>>) dst(%dma_wait3A_200 : memref<512x64xf32, #tpu.memory_space<hbm>>)
      tpu.yield
    }) : () -> ()
    return
  }
}

module attributes {stable_mosaic.version = 14 : i64} {
  func.func @_conv_body(%arg0: i32, %arg1: memref<1024x64xf32, #tpu.memory_space<vmem>>, %arg2: memref<1024x64xf32, #tpu.memory_space<vmem>>, %arg3: memref<1024x64xf32, #tpu.memory_space<vmem>>, %arg4: memref<64x1984xf32, #tpu.memory_space<vmem>>, %arg5: memref<64x1984xf32, #tpu.memory_space<vmem>>, %arg6: memref<64x1984xf32, #tpu.memory_space<vmem>>, %arg7: memref<1x1984xf32, #tpu.memory_space<vmem>>, %arg8: memref<1024x1984xf32, #tpu.memory_space<vmem>>) attributes {dimension_semantics = [#tpu.dimension_semantics<arbitrary>], iteration_bounds = array<i64: 16>, scalar_prefetch = 0 : i64, scratch_operands = 0 : i64, tpu.core_type = #tpu.core_type<tc>, window_params = [{transform_indices = @transform_0, window_bounds = array<i64: 1024, 64>}, {transform_indices = @transform_1, window_bounds = array<i64: 1024, 64>}, {transform_indices = @transform_2, window_bounds = array<i64: 1024, 64>}, {pipeline_mode = #tpu.pipeline_mode<synchronous>, transform_indices = @transform_3, window_bounds = array<i64: 64, 1984>}, {pipeline_mode = #tpu.pipeline_mode<synchronous>, transform_indices = @transform_4, window_bounds = array<i64: 64, 1984>}, {pipeline_mode = #tpu.pipeline_mode<synchronous>, transform_indices = @transform_5, window_bounds = array<i64: 64, 1984>}, {pipeline_mode = #tpu.pipeline_mode<synchronous>, transform_indices = @transform_6, window_bounds = array<i64: 1, 1984>}, {transform_indices = @transform_7, window_bounds = array<i64: 1024, 1984>}]} {
    %get3A = arith.constant 0 : index
    %get3A_0 = arith.constant 0 : index
    %get3A_1 = vector.load %arg1[%get3A, %get3A_0] : memref<1024x64xf32, #tpu.memory_space<vmem>>, vector<1024x64xf32>
    %get3A_2 = arith.constant 0 : index
    %get3A_3 = arith.constant 0 : index
    %get3A_4 = vector.load %arg4[%get3A_2, %get3A_3] : memref<64x1984xf32, #tpu.memory_space<vmem>>, vector<64x1984xf32>
    %dot_general3A = arith.constant dense<0.000000e+00> : vector<1024x1984xf32>
    %dot_general3A_5 = tpu.matmul %get3A_1, %get3A_4, %dot_general3A {dimension_numbers = #tpu.dot_dimension_numbers<[1], [0], [0], [1], [0, 0, 1, 1], [], []>, transpose_lhs_hint = false} : vector<1024x64xf32>, vector<64x1984xf32>, vector<1024x1984xf32> -> vector<1024x1984xf32>
    %get3A_6 = arith.constant 0 : index
    %get3A_7 = arith.constant 0 : index
    %get3A_8 = vector.load %arg2[%get3A_6, %get3A_7] : memref<1024x64xf32, #tpu.memory_space<vmem>>, vector<1024x64xf32>
    %get3A_9 = arith.constant 0 : index
    %get3A_10 = arith.constant 0 : index
    %get3A_11 = vector.load %arg5[%get3A_9, %get3A_10] : memref<64x1984xf32, #tpu.memory_space<vmem>>, vector<64x1984xf32>
    %dot_general3A_12 = arith.constant dense<0.000000e+00> : vector<1024x1984xf32>
    %dot_general3A_13 = tpu.matmul %get3A_8, %get3A_11, %dot_general3A_12 {dimension_numbers = #tpu.dot_dimension_numbers<[1], [0], [0], [1], [0, 0, 1, 1], [], []>, transpose_lhs_hint = false} : vector<1024x64xf32>, vector<64x1984xf32>, vector<1024x1984xf32> -> vector<1024x1984xf32>
    %add3A = arith.addf %dot_general3A_5, %dot_general3A_13 : vector<1024x1984xf32>
    %get3A_14 = arith.constant 0 : index
    %get3A_15 = arith.constant 0 : index
    %get3A_16 = vector.load %arg3[%get3A_14, %get3A_15] : memref<1024x64xf32, #tpu.memory_space<vmem>>, vector<1024x64xf32>
    %get3A_17 = arith.constant 0 : index
    %get3A_18 = arith.constant 0 : index
    %get3A_19 = vector.load %arg6[%get3A_17, %get3A_18] : memref<64x1984xf32, #tpu.memory_space<vmem>>, vector<64x1984xf32>
    %dot_general3A_20 = arith.constant dense<0.000000e+00> : vector<1024x1984xf32>
    %dot_general3A_21 = tpu.matmul %get3A_16, %get3A_19, %dot_general3A_20 {dimension_numbers = #tpu.dot_dimension_numbers<[1], [0], [0], [1], [0, 0, 1, 1], [], []>, transpose_lhs_hint = false} : vector<1024x64xf32>, vector<64x1984xf32>, vector<1024x1984xf32> -> vector<1024x1984xf32>
    %add3A_22 = arith.addf %add3A, %dot_general3A_21 : vector<1024x1984xf32>
    %get3A_23 = arith.constant 0 : index
    %get3A_24 = arith.constant 0 : index
    %get3A_25 = vector.load %arg7[%get3A_23, %get3A_24] : memref<1x1984xf32, #tpu.memory_space<vmem>>, vector<1x1984xf32>
    %add3A_26 = vector.broadcast %get3A_25 : vector<1x1984xf32> to vector<1024x1984xf32>
    %add3A_27 = arith.addf %add3A_22, %add3A_26 : vector<1024x1984xf32>
    %swap3A = arith.constant 0 : index
    %swap3A_28 = arith.constant 0 : index
    %swap3A_29 = vector.load %arg8[%swap3A, %swap3A_28] : memref<1024x1984xf32, #tpu.memory_space<vmem>>, vector<1024x1984xf32>
    tpu.vector_store %arg8[%swap3A, %swap3A_28], %add3A_27 {strides = array<i32>} : memref<1024x1984xf32, #tpu.memory_space<vmem>>, vector<1024x1984xf32>,
    return
  }
  func.func @transform_0(%arg0: i32) -> (i32, i32) {
    %c0_i32 = arith.constant 0 : i32
    %c0_i32_0 = arith.constant 0 : i32
    return %arg0, %c0_i32 : i32, i32
  }
  func.func @transform_1(%arg0: i32) -> (i32, i32) {
    %c0_i32 = arith.constant 0 : i32
    %c0_i32_0 = arith.constant 0 : i32
    return %arg0, %c0_i32 : i32, i32
  }
  func.func @transform_2(%arg0: i32) -> (i32, i32) {
    %c0_i32 = arith.constant 0 : i32
    %c0_i32_0 = arith.constant 0 : i32
    return %arg0, %c0_i32 : i32, i32
  }
  func.func @transform_3(%arg0: i32) -> (i32, i32) {
    %c0_i32 = arith.constant 0 : i32
    %c0_i32_0 = arith.constant 0 : i32
    %c0_i32_1 = arith.constant 0 : i32
    return %c0_i32, %c0_i32_0 : i32, i32
  }
  func.func @transform_4(%arg0: i32) -> (i32, i32) {
    %c0_i32 = arith.constant 0 : i32
    %c0_i32_0 = arith.constant 0 : i32
    %c0_i32_1 = arith.constant 0 : i32
    return %c0_i32, %c0_i32_0 : i32, i32
  }
  func.func @transform_5(%arg0: i32) -> (i32, i32) {
    %c0_i32 = arith.constant 0 : i32
    %c0_i32_0 = arith.constant 0 : i32
    %c0_i32_1 = arith.constant 0 : i32
    return %c0_i32, %c0_i32_0 : i32, i32
  }
  func.func @transform_6(%arg0: i32) -> (i32, i32) {
    %c0_i32 = arith.constant 0 : i32
    %c0_i32_0 = arith.constant 0 : i32
    %c0_i32_1 = arith.constant 0 : i32
    return %c0_i32, %c0_i32_0 : i32, i32
  }
  func.func @transform_7(%arg0: i32) -> (i32, i32) {
    %c0_i32 = arith.constant 0 : i32
    %c0_i32_0 = arith.constant 0 : i32
    return %arg0, %c0_i32 : i32, i32
  }
}

</mosaic_0001>

<sc_bundles>
// kernel: kernel.4.cloned.1.call-start
scs
__scs_entry_jumppad:
0x0: {  	(pc) =	sbr.rel $0x88, $3  }
0x1: {  	(tag) =	ssettag $0x0;
	lr =	simm.s32 $0x1  }
0x2: {  	[smem:$0x3F9C] =	sst lr;
	_ =	strace $0xD0000000  }
0x3: {  	_ = 	snop  }
0x4: {  	_ = 	snop  }
0x5: {  	_ = 	snop  }
0x6: {  	_ = 	snop  }
0x7: {  	_ = 	snop  }
__scs_overlays_trampoline_lowered:
0x8: {  	[smem:$0x3FAB] =	sst s0  }
0x9: {  	[smem:$0x3FAC] =	sst s1  }
0xa: {  	[smem:$0x3FAD] =	sst s2  }
0xb: {  	[smem:$0x3FAE] =	sst s3  }
0xc: {  	[smem:$0x3FAF] =	sst s4  }
0xd: {  	[smem:$0x3FB0] =	sst s5  }
0xe: {  	[smem:$0x3FB1] =	sst s6  }
0xf: {  	[smem:$0x3FB2] =	sst s7  }
0x10: {  	[smem:$0x3FB3] =	sst s8  }
0x11: {  	[smem:$0x3FB4] =	sst s9;
	s0 =	simm.s32 @!p0 $0x0  }
0x12: {  	s1 =	sld [smem:$0x3F9A];
	s0 =	simm.s32 @p0 $0x1  }
0x13: {  	[smem:$0x3FB5] =	sst s0;
	s0 =	simm.s32 @!p1 $0x0  }
0x14: {  	s2 =	sld [smem:$0x3F99];
	s0 =	simm.s32 @p1 $0x1  }
0x15: {  	[smem:$0x3FB6] =	sst s0;
	s0 =	simm.s32 @!p2 $0x0  }
0x16: {  	s3 =	sld [smem:$0x3FDB];
	s0 =	simm.s32 @p2 $0x1  }
0x17: {  	s4 =	simm.s32 $0x1BF5;
	[smem:$0x3FB8] =	sst s0  }
0x18: {  	s0 =	sld [smem:$0x3F9B];
	_ =	swait.ge [sflag:s4], $0x0  }
0x19: {  	s7 =	sld [smem:$0x3F9C]  }
0x1a: {  	s8 =	sadd.s32 $0xFFFFE003, lr  }
0x1b: {  	s9 =	sadd.s32 $0xFFFFFEF7, lr;
	s5 =	simm.s32 $0xFFFFFFFF;
	p2 =	slt.u32 s8, $0xFFFFF086  }
0x1c: {  	p1 =	slt.u32 s9, $0xF7A;
	s5 =	simm.s32 @!p2 $0x0  }
0x1d: {  	s5 =	simm.s32 @p1 $0x1;
	p0 =	seq.s32 s7, s2  }
0x1e: {  	s7 =	smul.u32 @!p0 $0xF7A, s2;
	p2 =	seq.s32 @!p0 s5, $0x0  }
0x1f: {  	s9 =	smul.u32 $0xF7A, s1;
	s8 =	simm.s32 @!p0 $0x1BF5;
	p2 =	por !p2, p0  }
0x20: {  	[sflag:s8] =	ssyncset.s32 @!p0 $0xFFFFF086;
	s6 =	sadd.s32 @!p0 s3, s7;
	s7 =	simm.s32 @!p0 $0x108  }
0x21: {  	s3 =	sadd.s32 s3, s9;
	s6 =	sadd.s32 @!p0 $0x88, s6;
	s7 =	simm.s32 @p2 $0x1082  }
0x22: {  	[simem:s7], [sflag:s8] =	dma.local @!p0 [hbm:s6], $0xF7A  }
0x23: {  	s9 =	sor.u32 $0xD0000000, s2;
	s6 =	simm.s32 $0x108;
	_ =	swait.ge @!p0 [sflag:s8], $0x0  }
0x24: {  	s3 =	sadd.s32 $0x88, s3;
	s6 =	simm.s32 @!p1 $0x1082;
	[sflag:s4] =	ssyncset.s32 $0xFFFFF086  }
0x25: {  	[simem:s6], [sflag:s4] =	dma.local [hbm:s3], $0xF7A  }
0x26: {  	[smem:$0x3F9C] =	sst s1;
	(tag) =	ssettag s2;
	_ =	strace s9  }
0x27: {  	s1 =	sld [smem:$0x3FAC]  }
0x28: {  	s2 =	sld [smem:$0x3FAD]  }
0x29: {  	s4 =	sld [smem:$0x3FAF]  }
0x2a: {  	p0 =	seq.s32 s5, $0x0;
	s5 =	sld [smem:$0x3FB0]  }
0x2b: {  	s6 =	sld [smem:$0x3FB1]  }
0x2c: {  	s7 =	sld [smem:$0x3FB2]  }
0x2d: {  	s3 =	simm.s32 $0x108;
	s8 =	sld [smem:$0x3FB3]  }
0x2e: {  	s3 =	simm.s32 @!p0 $0x1082;
	s9 =	sld [smem:$0x3FB4]  }
0x2f: {  	lr =	sadd.s32 s0, s3;
	s0 =	sld [smem:$0x3FAB]  }
0x30: {  	s3 =	sld [smem:$0x3FAE]  }
0x31: {  	[smem:$0x3FB7] =	sst s10  }
0x32: {  	s10 =	sld [smem:$0x3FB5];
	_ =	sdelay $0x3  }
0x33: {  	p0 =	seq.s32 s10, $0x1;
	s10 =	sld [smem:$0x3FB7];
	_ =	sdelay $0x3  }
0x34: {  	[smem:$0x3FB7] =	sst s10  }
0x35: {  	s10 =	sld [smem:$0x3FB6];
	_ =	sdelay $0x3  }
0x36: {  	p1 =	seq.s32 s10, $0x1;
	s10 =	sld [smem:$0x3FB7];
	_ =	sdelay $0x3  }
0x37: {  	[smem:$0x3FB7] =	sst s10  }
0x38: {  	s10 =	sld [smem:$0x3FB8]  }
0x39: {  	_ = 	snop;
	(pc) =	sbr.ind lr, $3  }
0x3a: {  	_ = 	snop  }
0x3b: {  	_ = 	snop  }
0x3c: {  	p2 =	seq.s32 s10, $0x1;
	s10 =	sld [smem:$0x3FB7]  }
0x3d: {  	_ =	shalt  }
0x3e: {  	_ =	shalt  }
0x3f: {  	_ =	shalt  }
0x40: {  	_ =	shalt  }
0x41: {  	_ =	shalt  }
0x42: {  	_ =	shalt  }
0x43: {  	_ =	shalt  }
0x44: {  	_ =	shalt  }
0x45: {  	_ =	shalt  }
0x46: {  	_ =	shalt  }
0x47: {  	_ =	shalt  }
0x48: {  	_ =	shalt  }
0x49: {  	_ =	shalt  }
0x4a: {  	_ =	shalt  }
0x4b: {  	_ =	shalt  }
0x4c: {  	_ =	shalt  }
0x4d: {  	_ =	shalt  }
0x4e: {  	_ =	shalt  }
0x4f: {  	_ =	shalt  }
0x50: {  	_ =	shalt  }
0x51: {  	_ =	shalt  }
0x52: {  	_ =	shalt  }
0x53: {  	_ =	shalt  }
0x54: {  	_ =	shalt  }
0x55: {  	_ =	shalt  }
0x56: {  	_ =	shalt  }
0x57: {  	_ =	shalt  }
0x58: {  	_ =	shalt  }
0x59: {  	_ =	shalt  }
0x5a: {  	_ =	shalt  }
0x5b: {  	_ =	shalt  }
0x5c: {  	_ =	shalt  }
0x5d: {  	_ =	shalt  }
0x5e: {  	_ =	shalt  }
0x5f: {  	_ =	shalt  }
0x60: {  	_ =	shalt  }
0x61: {  	_ =	shalt  }
0x62: {  	_ =	shalt  }
0x63: {  	_ =	shalt  }
0x64: {  	_ =	shalt  }
0x65: {  	_ =	shalt  }
0x66: {  	_ =	shalt  }
0x67: {  	_ =	shalt  }
0x68: {  	_ =	shalt  }
0x69: {  	_ =	shalt  }
0x6a: {  	_ =	shalt  }
0x6b: {  	_ =	shalt  }
0x6c: {  	_ =	shalt  }
0x6d: {  	_ =	shalt  }
0x6e: {  	_ =	shalt  }
0x6f: {  	_ =	shalt  }
0x70: {  	_ =	shalt  }
0x71: {  	_ =	shalt  }
0x72: {  	_ =	shalt  }
0x73: {  	_ =	shalt  }
0x74: {  	_ =	shalt  }
0x75: {  	_ =	shalt  }
0x76: {  	_ =	shalt  }
0x77: {  	_ =	shalt  }
0x78: {  	_ =	shalt  }
0x79: {  	_ =	shalt  }
0x7a: {  	_ =	shalt  }
0x7b: {  	_ =	shalt  }
0x7c: {  	_ =	shalt  }
0x7d: {  	_ =	shalt  }
0x7e: {  	_ =	shalt  }
0x7f: {  	_ =	shalt  }
0x80: {  	_ =	shalt  }
0x81: {  	_ =	shalt  }
0x82: {  	_ =	shalt  }
0x83: {  	_ =	shalt  }
0x84: {  	_ =	shalt  }
0x85: {  	_ =	shalt  }
0x86: {  	_ =	shalt  }
0x87: {  	_ =	shalt  }
.Lfunc_end0:
.L_simem_size_0:
called_computation_lowered:
.L_overlay_start_0:
0x88: {  	s2 =	sld [smem:$0x3FD9]  }
0x89: {  	s3 =	sld [smem:$0x3FFE];
	_ =	sdelay $0x1  }
0x8a: {  	s1 =	srdreg.scid  }
0x8b: {  	s0 =	sand.u32 $0x1, s1  }
0x8c: {  	s16 =	sshll.u32 s0, $0xA;
	s2 =	sadd.s32 s3, s2  }
0x8d: {  	s2 =	sadd.s32 s2, s16  }
0x8e: {  	[smem:$0x3FC3] =	sst s2  }
0x8f: {  	_ = 	snop  }
0x90: {  	(tm) =	ssettm $0x1  }
0x91: {  	s17 =	sld [smem:$0x3FFB];
	_ =	sdelay $0x3  }
0x92: {  	_ =	strace s17  }
0x93: {  	s2 =	sld [smem:$0x3FFC];
	_ =	sdelay $0x3  }
0x94: {  	_ =	strace s2  }
0x95: {  	s2 =	sld [smem:$0x3FFD];
	_ =	sdelay $0x3  }
0x96: {  	_ =	strace s2  }
0x97: {  	_ =	strace $0x8FFFFFFF  }
0x98: {  	s18 =	sld [smem:$0x3FDB];
	_ =	sdelay $0x1  }
0x99: {  	s19 =	simm.s32 $_scs_section_size  }
0x9a: {  	s4 =	simm.s32 $_size__tile_overlayer_lowered;
	s5 =	simm.s32 $_tile_overlayer_lowered  }
0x9b: {  	s22 =	simm.s32 $0x1BFF;
	s21 =	sshll.u32 s5, $0x1;
	s2 =	sadd.s32 s19, s18  }
0x9c: {  	s6 =	simm.s32 $0x0;
	s20 =	sshll.u32 s4, $0x1;
	s4 =	sadd.s32 s21, s2  }
0x9d: {  	[timem:s6], [sflag:s22] =	dma.local [hbm:s4], s20  }
0x9e: {  	_ =	swait.ge [sflag:s22], s20  }
0x9f: {  	s3 =	ssub.s32 $0x0, s20;
	[sflag:s22] =	ssyncset.done $0x0  }
0xa0: {  	[sflag:s22] =	ssyncadd.s32 s3;
	_ =	sdelay $0x1  }
0xa1: {  	s23 =	simm.s32 $0x1B8B  }
0xa2: {  	_ =	swait.ge [sflag:s23], $0x1  }
0xa3: {  	[sflag:s23] =	ssyncset.done $0x0  }
0xa4: {  	s25 =	simm.s32 $0x1B8E;
	s24 =	sld [smem:$0x3FFE];
	[sflag:s23] =	ssyncadd.s32 $0xFFFFFFFF  }
0xa5: {  	s26 =	simm.s32 $execute0_lowered;
	[smem:$0x3FD2] =	sst s25  }
0xa6: {  	s4 =	sshll.u32 s26, $0x1;
	_ =	strace $0x80000046;
	[dreg:$0x1] =	wrdreg $0xFFFFFFFF  }
0xa7: {  	s28 =	simm.s32 $_size_execute0_lowered;
	s2 =	sadd.s32 s2, s4;
	[dreg:$0x0] =	wrdreg $0x0  }
0xa8: {  	s4 =	sshll.u32 s28, $0x1;
	[dreg:$0x2] =	wrdreg s2  }
0xa9: {  	[dreg:$0x3] =	wrdreg s4  }
0xaa: {  	[dreg:$0x4] =	wrdreg $0xC0  }
0xab: {  	_ =	task [dreg:s6], $0x5FFFF  }
0xac: {  	[dreg:$0x1] =	wrdreg $0xFFFFFFFF  }
0xad: {  	[dreg:$0x0] =	wrdreg $0x60  }
0xae: {  	[dreg:$0x2] =	wrdreg s24  }
0xaf: {  	[dreg:$0x3] =	wrdreg $0x9  }
0xb0: {  	_ =	task.clear_ibuf [dreg:s6], $0x4FFFF;
	_ =	strace $0x90000046  }
0xb1: {  	s29 =	simm.s32 $0x9;
	_ =	strace $0x80000048  }
0xb2: {  	_ =	swait.ge [sflag:s29], $0x1  }
0xb3: {  	[sflag:s29] =	ssyncadd.s32 $0xFFFFFFFF  }
0xb4: {  	_ =	strace $0x90000048  }
0xb5: {  	_ =	sfence  }
0xb6: {  	s30 =	sld [smem:$0x0];
	_ =	sdelay $0x2  }
0xb7: {  	s31 =	sshll.u32 s1, $0xD;
	s1 =	sshrl.u32 s1, $0x2  }
0xb8: {  	s3 =	sand.u32 $0x4000, s31;
	s1 =	sadd.s32 s1, s30  }
0xb9: {  	s0 =	sor.u32 s3, s0;
	s1 =	sshll.u32 s1, $0x11  }
0xba: {  	s0 =	sor.u32 s1, s0  }
0xbb: {  	s0 =	sadd.s32 $0x8F2B, s0  }
0xbc: {  	[sflag:s0] =	ssyncadd.remote.s32 $0x1  }
0xbd: {  	_ =	sfence.sel $0xFFFF  }
0xbe: {  	[dreg:$0x0] =	wrdreg $0xFFFFFFFF;
	(pc) =	sbr.abs _section_cstart, $3  }
0xbf: {  	[dreg:$0x1] =	wrdreg $0xFFFFFFFF  }
0xc0: {  	_ =	task.clear_ibuf [dreg:s6], $0x2FFFF;
	_ =	strace $0x9FFFFFFF  }
0xc1: {  	(tm) =	ssettm $0x7FFFFFFF  }
tec
execute0_lowered:
.L_overlay_start_1:
0x0: {  	(tag) =	ssettag $0x1  }
0x1: {  	s0 =	srdreg.scid  }
0x2: {  	s2 =	stileid.u32;
	s1 =	rddreg [dreg:$0x0];
	s12 =	simm.s32 $0x200  }
0x3: {  	s13 =	simm.s32 $0x400;
	s11 =	simm.s32 $0x80;
	s7 =	simm.s32 $0x600  }
0x4: {  	s6 =	simm.s32 $0x8600;
	s14 =	simm.s32 $0x2600;
	s15 =	simm.s32 $0x280  }
0x5: {  	s16 =	simm.s32 $0xA600;
	s17 =	simm.s32 $0x480;
	s18 =	simm.s32 $0x12600  }
0x6: {  	s19 =	simm.s32 $0x100;
	s20 =	simm.s32 $0x4600;
	s21 =	simm.s32 $0x300  }
0x7: {  	p0 =	por $0x0, $0x0;
	s28 =	simm.s32 $0x380;
	s29 =	simm.s32 $0xE600  }
0x8: {  	s30 =	simm.s32 $0x580;
	s31 =	simm.s32 $0x16600;
	s10 =	simm.s32 $0x1  }
0x9: {  	s0 =	sand.u32 $0x1, s0;
	s3 =	sshll.u32 s2, $0xA;
	s2 =	simm.s32 $0x0  }
0xa: {  	s8 =	sadd.s32 $0xF44C00, s1;
	s9 =	sadd.s32 $0x2800, s1;
	s4 =	sshll.u32 s0, $0x9  }
0xb: {  	[smem:$0x7FF] =	sst s2;
	s0 =	ssub.s32 $0x2, s0;
	s3 =	sor.u32 s4, s3  }
0xc: {  	_ =	strace $0x80000047;
	s25 =	sshrl.u32 s0, $0x1;
	s4 =	sshrl.u32 s3, $0x3  }
0xd: {  	s3 =	sshll.u32 s3, $0x3;
	s0 =	ssub.s32 s0, s25;
	s4 =	sadd.s32 s4, s1  }
0xe: {  	s25 =	simm.s32 $0x180;
	s1 =	sadd.s32 s3, s1;
	s5 =	sadd.s32 $0x2000, s4  }
0xf: {  	s0 =	smax.u32 s0, $0x1;
	s22 =	sadd.s32 $0x1800, s4;
	[dreg:$0x2] =	wrdreg s5  }
0x10: {  	s23 =	sadd.s32 $0x1000, s4;
	p1 =	sne.s32 s0, $0x1;
	[dreg:$0x3] =	wrdreg s22  }
.Ltmp0:
0x11: {  	s24 =	sadd.s32 $0x105E00, s1;
	[dreg:$0x4] =	wrdreg s23;
	(pc) =	sbr.rel @!p1 .LBB2_3-.Ltmp0, $4  }
0x12: {  	s3 =	simm.s32 $0x2;
	s26 =	sadd.s32 $0xE5E00, s1;
	[dreg:$0x5] =	wrdreg s24  }
0x13: {  	s4 =	sadd.s32 $0xC5E00, s1;
	s1 =	sadd.s32 $0xFFFFFFFF, s0;
	[dreg:$0x6] =	wrdreg s26  }
0x14: {  	s5 =	simm.s32 $0x10600;
	s22 =	simm.s32 $0xC600;
	s23 =	simm.s32 $0x500  }
0x15: {  	s24 =	simm.s32 $0x14600;
	s26 =	simm.s32 $0x6600;
	s0 =	rddreg [dreg:$0x2]  }
0x16: {  	[tilespmem:s2], [sflag:$0x2] =	stream.linear.gather [hbm4b:s0+s2], $0x200, $0x38;
	[tilespmem:$0x18600] =	vst v63  }
0x17: {  	_ =	swait.ge [sflag:s3], $0x200  }
0x18: {  	[sflag:s3] =	ssyncset.done $0x0  }
0x19: {  	s0 =	rddreg [dreg:$0x3];
	[sflag:s3] =	ssyncadd.s32 $0xFFFFFE00  }
0x1a: {  	[tilespmem:s12], [sflag:$0x2] =	stream.linear.gather [hbm4b:s0+s2], $0x200, $0x38;
	[tilespmem:$0x18600] =	vst v63  }
0x1b: {  	_ =	swait.ge [sflag:s3], $0x200  }
0x1c: {  	[sflag:s3] =	ssyncset.done $0x0  }
0x1d: {  	s0 =	rddreg [dreg:$0x4];
	[sflag:s3] =	ssyncadd.s32 $0xFFFFFE00  }
0x1e: {  	[tilespmem:s13], [sflag:$0x2] =	stream.linear.gather [hbm4b:s0+s2], $0x200, $0x38;
	[tilespmem:$0x18600] =	vst v63  }
0x1f: {  	_ =	swait.ge [sflag:s3], $0x200  }
0x20: {  	[sflag:s3] =	ssyncset.done $0x0  }
0x21: {  	[sflag:s3] =	ssyncadd.s32 $0xFFFFFE00  }
0x22: {  	[tilespmem:s7], [sflag:$0x1] =	stream.indirect.gather [hbm4b:s8+s11], $0x40, s2, s11, $0xb8;
	[tilespmem:$0x18600] =	vst v63  }
0x23: {  	_ = 	snop  }
0x24: {  	[tilespmem:s6], [sflag:$0x1] =	stream.indirect.gather [hbm4b:s9+s11], $0x40, s12, s11, $0xb8;
	[tilespmem:$0x18600] =	vst v63  }
0x25: {  	_ = 	snop  }
0x26: {  	[tilespmem:s5], [sflag:$0x1] =	stream.indirect.gather [hbm4b:s8+s11], $0x40, s13, s11, $0xb8;
	[tilespmem:$0x18600] =	vst v63  }
0x27: {  	_ = 	snop  }
0x28: {  	[tilespmem:s14], [sflag:$0x1] =	stream.indirect.gather [hbm4b:s8+s11], $0x40, s11, s11, $0xb8;
	[tilespmem:$0x18600] =	vst v63  }
0x29: {  	_ = 	snop  }
0x2a: {  	[tilespmem:s16], [sflag:$0x1] =	stream.indirect.gather [hbm4b:s9+s11], $0x40, s15, s11, $0xb8;
	[tilespmem:$0x18600] =	vst v63  }
0x2b: {  	_ = 	snop  }
0x2c: {  	[tilespmem:s18], [sflag:$0x1] =	stream.indirect.gather [hbm4b:s8+s11], $0x40, s17, s11, $0xb8;
	[tilespmem:$0x18600] =	vst v63  }
0x2d: {  	_ = 	snop  }
0x2e: {  	[tilespmem:s20], [sflag:$0x1] =	stream.indirect.gather [hbm4b:s8+s11], $0x40, s19, s11, $0xb8;
	[tilespmem:$0x18600] =	vst v63  }
0x2f: {  	_ = 	snop  }
0x30: {  	[tilespmem:s22], [sflag:$0x1] =	stream.indirect.gather [hbm4b:s9+s11], $0x40, s21, s11, $0xb8;
	[tilespmem:$0x18600] =	vst v63  }
0x31: {  	_ = 	snop  }
0x32: {  	[tilespmem:s24], [sflag:$0x1] =	stream.indirect.gather [hbm4b:s8+s11], $0x40, s23, s11, $0xb8;
	[tilespmem:$0x18600] =	vst v63  }
0x33: {  	_ = 	snop  }
0x34: {  	[tilespmem:s26], [sflag:$0x1] =	stream.indirect.gather [hbm4b:s8+s11], $0x40, s25, s11, $0xb8;
	[tilespmem:$0x18600] =	vst v63  }
0x35: {  	_ = 	snop  }
0x36: {  	[tilespmem:s29], [sflag:$0x1] =	stream.indirect.gather [hbm4b:s9+s11], $0x40, s28, s11, $0xb8;
	[tilespmem:$0x18600] =	vst v63  }
0x37: {  	_ = 	snop  }
0x38: {  	[tilespmem:s31], [sflag:$0x1] =	stream.indirect.gather [hbm4b:s8+s11], $0x40, s30, s11, $0xb8;
	[tilespmem:$0x18600] =	vst v63  }
0x39: {  	_ =	swait.ge [sflag:s10], $0x2000  }
0x3a: {  	[sflag:s10] =	ssyncset.done $0x0  }
0x3b: {  	[sflag:s10] =	ssyncadd.s32 $0xFFFFE000  }
0x3c: {  	_ =	swait.ge [sflag:s10], $0x2000  }
0x3d: {  	[sflag:s10] =	ssyncset.done $0x0  }
0x3e: {  	[sflag:s10] =	ssyncadd.s32 $0xFFFFE000  }
0x3f: {  	_ =	swait.ge [sflag:s10], $0x2000  }
0x40: {  	[sflag:s10] =	ssyncset.done $0x0  }
0x41: {  	[sflag:s10] =	ssyncadd.s32 $0xFFFFE000  }
0x42: {  	_ =	swait.ge [sflag:s10], $0x2000  }
0x43: {  	[sflag:s10] =	ssyncset.done $0x0  }
0x44: {  	[sflag:s10] =	ssyncadd.s32 $0xFFFFE000  }
0x45: {  	_ =	swait.ge [sflag:s10], $0x2000  }
0x46: {  	[sflag:s10] =	ssyncset.done $0x0  }
0x47: {  	[sflag:s10] =	ssyncadd.s32 $0xFFFFE000  }
0x48: {  	_ =	swait.ge [sflag:s10], $0x2000  }
0x49: {  	[sflag:s10] =	ssyncset.done $0x0  }
0x4a: {  	[sflag:s10] =	ssyncadd.s32 $0xFFFFE000  }
0x4b: {  	_ =	swait.ge [sflag:s10], $0x2000  }
0x4c: {  	[sflag:s10] =	ssyncset.done $0x0  }
0x4d: {  	[sflag:s10] =	ssyncadd.s32 $0xFFFFE000  }
0x4e: {  	_ =	swait.ge [sflag:s10], $0x2000  }
0x4f: {  	[sflag:s10] =	ssyncset.done $0x0  }
0x50: {  	[sflag:s10] =	ssyncadd.s32 $0xFFFFE000  }
0x51: {  	_ =	swait.ge [sflag:s10], $0x2000  }
0x52: {  	[sflag:s10] =	ssyncset.done $0x0  }
0x53: {  	[sflag:s10] =	ssyncadd.s32 $0xFFFFE000  }
0x54: {  	_ =	swait.ge [sflag:s10], $0x2000  }
0x55: {  	[sflag:s10] =	ssyncset.done $0x0  }
0x56: {  	[sflag:s10] =	ssyncadd.s32 $0xFFFFE000  }
0x57: {  	_ =	swait.ge [sflag:s10], $0x2000  }
0x58: {  	[sflag:s10] =	ssyncset.done $0x0  }
0x59: {  	[sflag:s10] =	ssyncadd.s32 $0xFFFFE000  }
0x5a: {  	_ =	swait.ge [sflag:s10], $0x2000  }
0x5b: {  	[sflag:s10] =	ssyncset.done $0x0  }
0x5c: {  	s0 =	rddreg [dreg:$0x5];
	[sflag:s10] =	ssyncadd.s32 $0xFFFFE000  }
0x5d: {  	[hbm4b:s0+s2] =	stream.linear.scatter [tilespmem:s7], [sflag:$0x2], $0x8000, $0x38;
	[tilespmem:$0x18600] =	vst v63  }
0x5e: {  	_ =	swait.ge [sflag:s3], $0x8000  }
0x5f: {  	[sflag:s3] =	ssyncset.done $0x0  }
0x60: {  	s0 =	rddreg [dreg:$0x6];
	[sflag:s3] =	ssyncadd.s32 $0xFFFF8000  }
0x61: {  	[hbm4b:s0+s2] =	stream.linear.scatter [tilespmem:s6], [sflag:$0x2], $0x8000, $0x38;
	[tilespmem:$0x18600] =	vst v63  }
0x62: {  	p1 =	sne.s32 s1, $0x1;
	_ =	swait.ge [sflag:s3], $0x8000  }
.Ltmp1:
0x63: {  	[sflag:s3] =	ssyncset.done $0x0;
	(pc) =	sbr.rel @!p1 .LBB2_3-.Ltmp1, $4  }
0x64: {  	[sflag:s3] =	ssyncadd.s32 $0xFFFF8000  }
0x65: {  	[hbm4b:s4+s2] =	stream.linear.scatter [tilespmem:s5], [sflag:$0x2], $0x8000, $0x38;
	[tilespmem:$0x18600] =	vst v63  }
0x66: {  	s1 =	sadd.s32 $0xFFFFFFFF, s1;
	_ =	swait.ge [sflag:s3], $0x8000  }
0x67: {  	p0 =	por $0x1, $0x1;
	s0 =	rddreg [dreg:$0x2];
	[sflag:s3] =	ssyncset.done $0x0  }
.LBB2_2:
0x68: {  	[sflag:s3] =	ssyncadd.s32 $0xFFFF8000  }
0x69: {  	[tilespmem:s2], [sflag:$0x2] =	stream.linear.gather [hbm4b:s0+s2], $0x200, $0x38;
	[tilespmem:$0x18600] =	vst v63  }
0x6a: {  	_ =	swait.ge [sflag:s3], $0x200  }
0x6b: {  	[sflag:s3] =	ssyncset.done $0x0  }
0x6c: {  	s0 =	rddreg [dreg:$0x3];
	[sflag:s3] =	ssyncadd.s32 $0xFFFFFE00  }
0x6d: {  	[tilespmem:s12], [sflag:$0x2] =	stream.linear.gather [hbm4b:s0+s2], $0x200, $0x38;
	[tilespmem:$0x18600] =	vst v63  }
0x6e: {  	_ =	swait.ge [sflag:s3], $0x200  }
0x6f: {  	[sflag:s3] =	ssyncset.done $0x0  }
0x70: {  	s0 =	rddreg [dreg:$0x4];
	[sflag:s3] =	ssyncadd.s32 $0xFFFFFE00  }
0x71: {  	[tilespmem:s13], [sflag:$0x2] =	stream.linear.gather [hbm4b:s0+s2], $0x200, $0x38;
	[tilespmem:$0x18600] =	vst v63  }
0x72: {  	_ =	swait.ge [sflag:s3], $0x200  }
0x73: {  	[sflag:s3] =	ssyncset.done $0x0  }
0x74: {  	[sflag:s3] =	ssyncadd.s32 $0xFFFFFE00  }
0x75: {  	[tilespmem:s7], [sflag:$0x1] =	stream.indirect.gather [hbm4b:s8+s11], $0x40, s2, s11, $0xb8;
	[tilespmem:$0x18600] =	vst v63  }
0x76: {  	_ = 	snop  }
0x77: {  	[tilespmem:s6], [sflag:$0x1] =	stream.indirect.gather [hbm4b:s9+s11], $0x40, s12, s11, $0xb8;
	[tilespmem:$0x18600] =	vst v63  }
0x78: {  	_ = 	snop  }
0x79: {  	[tilespmem:s5], [sflag:$0x1] =	stream.indirect.gather [hbm4b:s8+s11], $0x40, s13, s11, $0xb8;
	[tilespmem:$0x18600] =	vst v63  }
0x7a: {  	_ = 	snop  }
0x7b: {  	[tilespmem:s14], [sflag:$0x1] =	stream.indirect.gather [hbm4b:s8+s11], $0x40, s11, s11, $0xb8;
	[tilespmem:$0x18600] =	vst v63  }
0x7c: {  	_ = 	snop  }
0x7d: {  	[tilespmem:s16], [sflag:$0x1] =	stream.indirect.gather [hbm4b:s9+s11], $0x40, s15, s11, $0xb8;
	[tilespmem:$0x18600] =	vst v63  }
0x7e: {  	_ = 	snop  }
0x7f: {  	[tilespmem:s18], [sflag:$0x1] =	stream.indirect.gather [hbm4b:s8+s11], $0x40, s17, s11, $0xb8;
	[tilespmem:$0x18600] =	vst v63  }
0x80: {  	_ = 	snop  }
0x81: {  	[tilespmem:s20], [sflag:$0x1] =	stream.indirect.gather [hbm4b:s8+s11], $0x40, s19, s11, $0xb8;
	[tilespmem:$0x18600] =	vst v63  }
0x82: {  	_ = 	snop  }
0x83: {  	[tilespmem:s22], [sflag:$0x1] =	stream.indirect.gather [hbm4b:s9+s11], $0x40, s21, s11, $0xb8;
	[tilespmem:$0x18600] =	vst v63  }
0x84: {  	_ = 	snop  }
0x85: {  	[tilespmem:s24], [sflag:$0x1] =	stream.indirect.gather [hbm4b:s8+s11], $0x40, s23, s11, $0xb8;
	[tilespmem:$0x18600] =	vst v63  }
0x86: {  	_ = 	snop  }
0x87: {  	[tilespmem:s26], [sflag:$0x1] =	stream.indirect.gather [hbm4b:s8+s11], $0x40, s25, s11, $0xb8;
	[tilespmem:$0x18600] =	vst v63  }
0x88: {  	_ = 	snop  }
0x89: {  	[tilespmem:s29], [sflag:$0x1] =	stream.indirect.gather [hbm4b:s9+s11], $0x40, s28, s11, $0xb8;
	[tilespmem:$0x18600] =	vst v63  }
0x8a: {  	_ = 	snop  }
0x8b: {  	[tilespmem:s31], [sflag:$0x1] =	stream.indirect.gather [hbm4b:s8+s11], $0x40, s30, s11, $0xb8;
	[tilespmem:$0x18600] =	vst v63  }
0x8c: {  	_ =	swait.ge [sflag:s10], $0x2000  }
0x8d: {  	[sflag:s10] =	ssyncset.done $0x0  }
0x8e: {  	[sflag:s10] =	ssyncadd.s32 $0xFFFFE000  }
0x8f: {  	_ =	swait.ge [sflag:s10], $0x2000  }
0x90: {  	[sflag:s10] =	ssyncset.done $0x0  }
0x91: {  	[sflag:s10] =	ssyncadd.s32 $0xFFFFE000  }
0x92: {  	_ =	swait.ge [sflag:s10], $0x2000  }
0x93: {  	[sflag:s10] =	ssyncset.done $0x0  }
0x94: {  	[sflag:s10] =	ssyncadd.s32 $0xFFFFE000  }
0x95: {  	_ =	swait.ge [sflag:s10], $0x2000  }
0x96: {  	[sflag:s10] =	ssyncset.done $0x0  }
0x97: {  	[sflag:s10] =	ssyncadd.s32 $0xFFFFE000  }
0x98: {  	_ =	swait.ge [sflag:s10], $0x2000  }
0x99: {  	[sflag:s10] =	ssyncset.done $0x0  }
0x9a: {  	[sflag:s10] =	ssyncadd.s32 $0xFFFFE000  }
0x9b: {  	_ =	swait.ge [sflag:s10], $0x2000  }
0x9c: {  	[sflag:s10] =	ssyncset.done $0x0  }
0x9d: {  	[sflag:s10] =	ssyncadd.s32 $0xFFFFE000  }
0x9e: {  	_ =	swait.ge [sflag:s10], $0x2000  }
0x9f: {  	[sflag:s10] =	ssyncset.done $0x0  }
0xa0: {  	[sflag:s10] =	ssyncadd.s32 $0xFFFFE000  }
0xa1: {  	_ =	swait.ge [sflag:s10], $0x2000  }
0xa2: {  	[sflag:s10] =	ssyncset.done $0x0  }
0xa3: {  	[sflag:s10] =	ssyncadd.s32 $0xFFFFE000  }
0xa4: {  	_ =	swait.ge [sflag:s10], $0x2000  }
0xa5: {  	[sflag:s10] =	ssyncset.done $0x0  }
0xa6: {  	[sflag:s10] =	ssyncadd.s32 $0xFFFFE000  }
0xa7: {  	_ =	swait.ge [sflag:s10], $0x2000  }
0xa8: {  	[sflag:s10] =	ssyncset.done $0x0  }
0xa9: {  	[sflag:s10] =	ssyncadd.s32 $0xFFFFE000  }
0xaa: {  	_ =	swait.ge [sflag:s10], $0x2000  }
0xab: {  	[sflag:s10] =	ssyncset.done $0x0  }
0xac: {  	[sflag:s10] =	ssyncadd.s32 $0xFFFFE000  }
0xad: {  	_ =	swait.ge [sflag:s10], $0x2000  }
0xae: {  	[sflag:s10] =	ssyncset.done $0x0  }
0xaf: {  	s0 =	rddreg [dreg:$0x5];
	[sflag:s10] =	ssyncadd.s32 $0xFFFFE000  }
0xb0: {  	[hbm4b:s0+s2] =	stream.linear.scatter [tilespmem:s7], [sflag:$0x2], $0x8000, $0x38;
	[tilespmem:$0x18600] =	vst v63  }
0xb1: {  	_ =	swait.ge [sflag:s3], $0x8000  }
0xb2: {  	[sflag:s3] =	ssyncset.done $0x0  }
0xb3: {  	s0 =	rddreg [dreg:$0x6];
	[sflag:s3] =	ssyncadd.s32 $0xFFFF8000  }
0xb4: {  	[hbm4b:s0+s2] =	stream.linear.scatter [tilespmem:s6], [sflag:$0x2], $0x8000, $0x38;
	[tilespmem:$0x18600] =	vst v63  }
0xb5: {  	p1 =	sne.s32 s1, $0x1;
	_ =	swait.ge [sflag:s3], $0x8000  }
.Ltmp2:
0xb6: {  	[sflag:s3] =	ssyncset.done $0x0;
	(pc) =	sbr.rel @p1 .LBB2_2-.Ltmp2, $4  }
0xb7: {  	[sflag:s3] =	ssyncadd.s32 $0xFFFF8000  }
0xb8: {  	[hbm4b:s4+s2] =	stream.linear.scatter [tilespmem:s5], [sflag:$0x2], $0x8000, $0x38;
	[tilespmem:$0x18600] =	vst v63  }
0xb9: {  	_ =	swait.ge [sflag:s3], $0x8000  }
0xba: {  	s1 =	sadd.s32 $0xFFFFFFFF, s1;
	s0 =	rddreg [dreg:$0x2];
	[sflag:s3] =	ssyncset.done $0x0  }
.LBB2_3:
0xbb: {  	[sflag:s3] =	ssyncadd.s32 @p0 $0xFFFF8000  }
0xbc: {  	[tilespmem:s2], [sflag:$0x2] =	stream.linear.gather [hbm4b:s0+s2], $0x200, $0x38;
	[tilespmem:$0x18600] =	vst v63  }
0xbd: {  	_ =	swait.ge [sflag:s3], $0x200  }
0xbe: {  	[sflag:s3] =	ssyncset.done $0x0  }
0xbf: {  	s1 =	rddreg [dreg:$0x3];
	[sflag:s3] =	ssyncadd.s32 $0xFFFFFE00  }
0xc0: {  	[tilespmem:s12], [sflag:$0x2] =	stream.linear.gather [hbm4b:s1+s2], $0x200, $0x38;
	[tilespmem:$0x18600] =	vst v63  }
0xc1: {  	_ =	swait.ge [sflag:s3], $0x200  }
0xc2: {  	[sflag:s3] =	ssyncset.done $0x0  }
0xc3: {  	s1 =	rddreg [dreg:$0x4];
	[sflag:s3] =	ssyncadd.s32 $0xFFFFFE00  }
0xc4: {  	[tilespmem:s13], [sflag:$0x2] =	stream.linear.gather [hbm4b:s1+s2], $0x200, $0x38;
	[tilespmem:$0x18600] =	vst v63  }
0xc5: {  	_ =	swait.ge [sflag:s3], $0x200  }
0xc6: {  	[sflag:s3] =	ssyncset.done $0x0  }
0xc7: {  	[sflag:s3] =	ssyncadd.s32 $0xFFFFFE00  }
0xc8: {  	[tilespmem:s7], [sflag:$0x1] =	stream.indirect.gather [hbm4b:s8+s11], $0x40, s2, s11, $0xb8;
	[tilespmem:$0x18600] =	vst v63  }
0xc9: {  	_ = 	snop  }
0xca: {  	[tilespmem:s6], [sflag:$0x1] =	stream.indirect.gather [hbm4b:s9+s11], $0x40, s12, s11, $0xb8;
	[tilespmem:$0x18600] =	vst v63  }
0xcb: {  	_ = 	snop  }
0xcc: {  	[tilespmem:s5], [sflag:$0x1] =	stream.indirect.gather [hbm4b:s8+s11], $0x40, s13, s11, $0xb8;
	[tilespmem:$0x18600] =	vst v63  }
0xcd: {  	_ = 	snop  }
0xce: {  	[tilespmem:s14], [sflag:$0x1] =	stream.indirect.gather [hbm4b:s8+s11], $0x40, s11, s11, $0xb8;
	[tilespmem:$0x18600] =	vst v63  }
0xcf: {  	_ = 	snop  }
0xd0: {  	[tilespmem:s16], [sflag:$0x1] =	stream.indirect.gather [hbm4b:s9+s11], $0x40, s15, s11, $0xb8;
	[tilespmem:$0x18600] =	vst v63  }
0xd1: {  	_ = 	snop  }
0xd2: {  	[tilespmem:s18], [sflag:$0x1] =	stream.indirect.gather [hbm4b:s8+s11], $0x40, s17, s11, $0xb8;
	[tilespmem:$0x18600] =	vst v63  }
0xd3: {  	_ = 	snop  }
0xd4: {  	[tilespmem:s20], [sflag:$0x1] =	stream.indirect.gather [hbm4b:s8+s11], $0x40, s19, s11, $0xb8;
	[tilespmem:$0x18600] =	vst v63  }
0xd5: {  	_ = 	snop  }
0xd6: {  	[tilespmem:s22], [sflag:$0x1] =	stream.indirect.gather [hbm4b:s9+s11], $0x40, s21, s11, $0xb8;
	[tilespmem:$0x18600] =	vst v63  }
0xd7: {  	_ = 	snop  }
0xd8: {  	[tilespmem:s24], [sflag:$0x1] =	stream.indirect.gather [hbm4b:s8+s11], $0x40, s23, s11, $0xb8;
	[tilespmem:$0x18600] =	vst v63  }
0xd9: {  	_ = 	snop  }
0xda: {  	[tilespmem:s26], [sflag:$0x1] =	stream.indirect.gather [hbm4b:s8+s11], $0x40, s25, s11, $0xb8;
	[tilespmem:$0x18600] =	vst v63  }
0xdb: {  	_ = 	snop  }
0xdc: {  	[tilespmem:s29], [sflag:$0x1] =	stream.indirect.gather [hbm4b:s9+s11], $0x40, s28, s11, $0xb8;
	[tilespmem:$0x18600] =	vst v63  }
0xdd: {  	_ = 	snop  }
0xde: {  	[tilespmem:s31], [sflag:$0x1] =	stream.indirect.gather [hbm4b:s8+s11], $0x40, s30, s11, $0xb8;
	[tilespmem:$0x18600] =	vst v63  }
0xdf: {  	_ =	swait.ge [sflag:s10], $0x2000  }
0xe0: {  	[sflag:s10] =	ssyncset.done $0x0  }
0xe1: {  	[sflag:s10] =	ssyncadd.s32 $0xFFFFE000  }
0xe2: {  	_ =	swait.ge [sflag:s10], $0x2000  }
0xe3: {  	[sflag:s10] =	ssyncset.done $0x0  }
0xe4: {  	[sflag:s10] =	ssyncadd.s32 $0xFFFFE000  }
0xe5: {  	_ =	swait.ge [sflag:s10], $0x2000  }
0xe6: {  	[sflag:s10] =	ssyncset.done $0x0  }
0xe7: {  	[sflag:s10] =	ssyncadd.s32 $0xFFFFE000  }
0xe8: {  	_ =	swait.ge [sflag:s10], $0x2000  }
0xe9: {  	[sflag:s10] =	ssyncset.done $0x0  }
0xea: {  	[sflag:s10] =	ssyncadd.s32 $0xFFFFE000  }
0xeb: {  	_ =	swait.ge [sflag:s10], $0x2000  }
0xec: {  	[sflag:s10] =	ssyncset.done $0x0  }
0xed: {  	[sflag:s10] =	ssyncadd.s32 $0xFFFFE000  }
0xee: {  	_ =	swait.ge [sflag:s10], $0x2000  }
0xef: {  	[sflag:s10] =	ssyncset.done $0x0  }
0xf0: {  	[sflag:s10] =	ssyncadd.s32 $0xFFFFE000  }
0xf1: {  	_ =	swait.ge [sflag:s10], $0x2000  }
0xf2: {  	[sflag:s10] =	ssyncset.done $0x0  }
0xf3: {  	[sflag:s10] =	ssyncadd.s32 $0xFFFFE000  }
0xf4: {  	_ =	swait.ge [sflag:s10], $0x2000  }
0xf5: {  	[sflag:s10] =	ssyncset.done $0x0  }
0xf6: {  	[sflag:s10] =	ssyncadd.s32 $0xFFFFE000  }
0xf7: {  	_ =	swait.ge [sflag:s10], $0x2000  }
0xf8: {  	[sflag:s10] =	ssyncset.done $0x0  }
0xf9: {  	[sflag:s10] =	ssyncadd.s32 $0xFFFFE000  }
0xfa: {  	_ =	swait.ge [sflag:s10], $0x2000  }
0xfb: {  	[sflag:s10] =	ssyncset.done $0x0  }
0xfc: {  	[sflag:s10] =	ssyncadd.s32 $0xFFFFE000  }
0xfd: {  	_ =	swait.ge [sflag:s10], $0x2000  }
0xfe: {  	[sflag:s10] =	ssyncset.done $0x0  }
0xff: {  	[sflag:s10] =	ssyncadd.s32 $0xFFFFE000  }
0x100: {  	_ =	swait.ge [sflag:s10], $0x2000  }
0x101: {  	[sflag:s10] =	ssyncset.done $0x0  }
0x102: {  	s29 =	rddreg [dreg:$0x5];
	[sflag:s10] =	ssyncadd.s32 $0xFFFFE000  }
0x103: {  	[hbm4b:s29+s2] =	stream.linear.scatter [tilespmem:s7], [sflag:$0x2], $0x8000, $0x38;
	[tilespmem:$0x18600] =	vst v63  }
0x104: {  	_ =	swait.ge [sflag:s3], $0x8000  }
0x105: {  	[sflag:s3] =	ssyncset.done $0x0  }
0x106: {  	s30 =	rddreg [dreg:$0x6];
	[sflag:s3] =	ssyncadd.s32 $0xFFFF8000  }
0x107: {  	[hbm4b:s30+s2] =	stream.linear.scatter [tilespmem:s6], [sflag:$0x2], $0x8000, $0x38;
	[tilespmem:$0x18600] =	vst v63  }
0x108: {  	_ =	swait.ge [sflag:s3], $0x8000  }
0x109: {  	[sflag:s3] =	ssyncset.done $0x0  }
0x10a: {  	[sflag:s3] =	ssyncadd.s32 $0xFFFF8000  }
0x10b: {  	[hbm4b:s4+s2] =	stream.linear.scatter [tilespmem:s5], [sflag:$0x2], $0x8000, $0x38;
	[tilespmem:$0x18600] =	vst v63  }
0x10c: {  	_ =	swait.ge [sflag:s3], $0x8000  }
0x10d: {  	[sflag:s3] =	ssyncset.done $0x0  }
0x10e: {  	[sflag:s3] =	ssyncadd.s32 $0xFFFF8000  }
0x10f: {  	_ =	sfence.sel $0x180000  }
0x110: {  	[bflag:$0x0] =	sbarrier.arrive $0xFFFF  }
0x111: {  	_ =	strace $0x90000047  }
0x112: {  	s31 =	stileid.u32;
	[bflag:$0x2] =	sbarrier.arrive $0xFFFF  }
0x113: {  	p0 =	sne.s32 s31, $0x0;
	s0 =	rddreg [dreg:$0x1]  }
0x114: {  	s0 =	sadd.s32 @!p0 $0x100000, s0  }
0x115: {  	[sflag:s0] =	ssyncadd.tile.s32 @!p0 $0x1;
	_ =	shalt  }
.Lfunc_end2:
_tile_overlayer_lowered:
.L_overlay_start_2:
0x116: {  	(tag) =	ssettag $0x2  }
0x117: {  	s0 =	rddreg [dreg:$0x0];
	s2 =	stileid.u32  }
0x118: {  	s1 =	rddreg [dreg:$0x1];
	p0 =	sne.s32 s2, $0x0  }
0x119: {  	s3 =	rddreg [dreg:$0x2];
	[bflag:$0x3] =	sbarrier.arrive $0xFFFF;
	s2 =	simm.s32 @!p0 $0x1C02  }
0x11a: {  	[timem:s3], [sflag:s2] =	dma.local @!p0 [hbm:s0], s1  }
0x11b: {  	s0 =	simm.s32 @!p0 $0x2  }
0x11c: {  	_ =	swait.ge @!p0 [sflag:s0], s1  }
0x11d: {  	s1 =	ssub.s32 @!p0 $0x0, s1;
	[sflag:s0] =	ssyncset.done @!p0 $0x0  }
0x11e: {  	[sflag:s0] =	ssyncadd.s32 @!p0 s1  }
0x11f: {  	[bflag:$0x3] =	sbarrier.arrive $0xFFFF  }
0x120: {  	_ =	shalt  }

</sc_bundles>
